<compile_context>
chip_gen: v7x
topology: tpu7x:2x2x1
jax: 0.10.2.dev20260603
libtpu: 0.0.44.dev20260713+nightly
codegen_flags: <defaults>
</compile_context>

<pallas_src>
import functools

import jax
import jax.numpy as jnp
from jax import lax
from jax.experimental import pallas as pl
from jax.experimental.pallas import tpu as pltpu
from jax.experimental.pallas import tpu_sc as plsc

NUM_LINKS = 2000
NUM_PATHS = 7350
NUM_OD = 2450
BLK = 40
NBLK = NUM_LINKS // BLK
SUB = BLK // 8

NW = 32
OD_PER_W = 80
OD_PAD = NW * OD_PER_W
PATH_PAD = OD_PAD * 3
GROUPS = OD_PER_W // 16


def _pass1(link_params, D):
    def body(lp_ref, d_ref, t_ref, u_ref, uacc_ref):
        i = pl.program_id(0)
        lp = lp_ref[pl.ds(i * BLK, BLK), :]
        base = 1.0 + lp[:, 1:2] * (lp[:, 0:1] / lp[:, 4:5])
        t_blk = lp[:, 3:4] * jnp.exp(lp[:, 2:3] * jnp.log(base))
        t_ref[pl.ds(i * BLK, BLK), :] = t_blk

        @pl.when(i == 0)
        def _init():
            uacc_ref[...] = jnp.zeros_like(uacc_ref)

        u_loc = jnp.zeros((8, NUM_PATHS), jnp.float32)
        for k in range(SUB):
            u_loc = (u_loc +
                     d_ref[k * 8:(k + 1) * 8, :] * t_blk[k * 8:(k + 1) * 8, :])
        uacc_ref[...] += u_loc

        @pl.when(i == NBLK - 1)
        def _fin():
            u_ref[...] = jnp.sum(uacc_ref[...], axis=0, keepdims=True)

    return pl.pallas_call(
        body,
        grid=(NBLK,),
        in_specs=[
            pl.BlockSpec((NUM_LINKS, 8), lambda i: (0, 0)),
            pl.BlockSpec((BLK, NUM_PATHS), lambda i: (i, 0)),
        ],
        out_specs=[
            pl.BlockSpec((NUM_LINKS, 1), lambda i: (0, 0)),
            pl.BlockSpec((1, NUM_PATHS), lambda i: (0, 0)),
        ],
        out_shape=(
            jax.ShapeDtypeStruct((NUM_LINKS, 1), jnp.float32),
            jax.ShapeDtypeStruct((1, NUM_PATHS), jnp.float32),
        ),
        scratch_shapes=[pltpu.VMEM((8, NUM_PATHS), jnp.float32)],
        compiler_params=pltpu.CompilerParams(
            vmem_limit_bytes=128 * 1024 * 1024),
    )(link_params, D)


def _sc_softmax(u0_pad, u1_pad, u2_pad, q_pad):
    mesh = plsc.VectorSubcoreMesh(core_axis_name="c", subcore_axis_name="s")
    shp = jax.ShapeDtypeStruct((OD_PAD,), jnp.float32)
    vec = pltpu.VMEM((OD_PER_W,), jnp.float32)

    @functools.partial(
        pl.kernel, mesh=mesh,
        out_type=(shp,) * 6,
        scratch_types=[vec] * 10,
    )
    def k(u0_h, u1_h, u2_h, q_h, p0_h, p1_h, p2_h, f0_h, f1_h, f2_h,
          u0_v, u1_v, u2_v, q_v, p0_v, p1_v, p2_v, f0_v, f1_v, f2_v):
        wid = lax.axis_index("s") * 2 + lax.axis_index("c")
        base = wid * OD_PER_W
        sl_h = pl.ds(base, OD_PER_W)
        pltpu.sync_copy(u0_h.at[sl_h], u0_v)
        pltpu.sync_copy(u1_h.at[sl_h], u1_v)
        pltpu.sync_copy(u2_h.at[sl_h], u2_v)
        pltpu.sync_copy(q_h.at[sl_h], q_v)
        for g in range(GROUPS):
            sl = pl.ds(g * 16, 16)
            a = u0_v[sl]
            b = u1_v[sl]
            c = u2_v[sl]
            m = jnp.maximum(a, jnp.maximum(b, c))
            e0 = jnp.exp(a - m)
            e1 = jnp.exp(b - m)
            e2 = jnp.exp(c - m)
            r = 1.0 / (e0 + e1 + e2)
            p0, p1, p2 = e0 * r, e1 * r, e2 * r
            qg = q_v[sl]
            p0_v[sl] = p0
            p1_v[sl] = p1
            p2_v[sl] = p2
            f0_v[sl] = qg * p0
            f1_v[sl] = qg * p1
            f2_v[sl] = qg * p2
        pltpu.sync_copy(p0_v, p0_h.at[sl_h])
        pltpu.sync_copy(p1_v, p1_h.at[sl_h])
        pltpu.sync_copy(p2_v, p2_h.at[sl_h])
        pltpu.sync_copy(f0_v, f0_h.at[sl_h])
        pltpu.sync_copy(f1_v, f1_h.at[sl_h])
        pltpu.sync_copy(f2_v, f2_h.at[sl_h])

    return k(u0_pad, u1_pad, u2_pad, q_pad)


def _pass2(D, f_row):
    def body(f_ref, d_ref, x_ref):
        i = pl.program_id(0)
        f = f_ref[...]
        for k in range(SUB):
            d8 = d_ref[k * 8:(k + 1) * 8, :]
            x_ref[pl.ds(i * BLK + k * 8, 8), :] = jnp.sum(
                d8 * f, axis=1, keepdims=True)

    return pl.pallas_call(
        body,
        grid=(NBLK,),
        in_specs=[
            pl.BlockSpec((1, NUM_PATHS), lambda i: (0, 0)),
            pl.BlockSpec((BLK, NUM_PATHS), lambda i: (i, 0)),
        ],
        out_specs=pl.BlockSpec((NUM_LINKS, 1), lambda i: (0, 0)),
        out_shape=jax.ShapeDtypeStruct((NUM_LINKS, 1), jnp.float32),
        compiler_params=pltpu.CompilerParams(
            vmem_limit_bytes=128 * 1024 * 1024),
    )(f_row, D)


def kernel(x_hat, alpha, beta, q_hat, D, M, t_min, x_max):
    del M
    zeros = jnp.zeros((NUM_LINKS,), jnp.float32)
    link_params = jnp.stack(
        [x_hat, alpha, beta, t_min, x_max, zeros, zeros, zeros], axis=1)

    t2, u = _pass1(link_params, D)
    up = u.reshape(NUM_OD, 3)
    pad = lambda v: jnp.zeros((OD_PAD,), jnp.float32).at[:NUM_OD].set(v)
    p0, p1, p2, f0, f1, f2 = _sc_softmax(
        pad(up[:, 0]), pad(up[:, 1]), pad(up[:, 2]), pad(q_hat))
    p = jnp.stack([p0, p1, p2], axis=1).reshape(-1)[:NUM_PATHS]
    f = jnp.stack([f0, f1, f2], axis=1).reshape(-1)[:NUM_PATHS]
    x2 = _pass2(D, f.reshape(1, NUM_PATHS))
    return (x2.reshape(NUM_LINKS), t2.reshape(NUM_LINKS), f, p)

# --- scband reference (transcript-rebuilt; emitter-appended) ---
"""Pipeline reference for scband-traffic-model-41669772706074 (READ-ONLY COPY).

The authoritative reference and input builder live on the scoring server;
editing this copy changes nothing except your own understanding.
"""

import jax, jax.numpy as jnp
import numpy as np

NUM_LINKS = 2000
NUM_OD = 2450  # 50*50 - 50 off-diagonal OD pairs
PATHS_PER_OD = 3
NUM_PATHS = NUM_OD * PATHS_PER_OD  # 7350


def setup_inputs(seed: int = 0) -> dict:
    key = jax.random.key(seed)
    k1, k2, k3, k4 = jax.random.split(key, 4)
    # link-path incidence matrix D [num_links, num_paths], sparse binary
    D = (jax.random.uniform(k1, (NUM_LINKS, NUM_PATHS)) < 0.005).astype(jnp.float32)
    # OD-path membership M [num_od_pairs, num_paths]: each path belongs to exactly one OD pair
    seg = jnp.arange(NUM_PATHS) // PATHS_PER_OD
    M = jax.nn.one_hot(seg, NUM_OD, dtype=jnp.float32).T  # [NUM_OD, NUM_PATHS]
    # historical OD demand (flattened off-diagonal OD matrix)
    q_his = jax.random.uniform(k2, (NUM_OD,), dtype=jnp.float32) * 100.0
    mean_q = jnp.mean(q_his)
    noise = jax.random.normal(k3, (NUM_OD,), dtype=jnp.float32) * 0.1 * mean_q
    # learned parameters (nn.Parameter in the torch module)
    q_hat = (q_his + noise).astype(jnp.float32)
    x_hat = jax.random.uniform(k4, (NUM_LINKS,), dtype=jnp.float32) * 100.0  # keep positive so base of pow > 1
    alpha = jnp.full((NUM_LINKS,), 0.15, dtype=jnp.float32)
    beta = jnp.full((NUM_LINKS,), 4.0, dtype=jnp.float32)
    # constant buffers (module-level globals in the torch code)
    t_min = jnp.full((NUM_LINKS,), 2.0, dtype=jnp.float32)
    x_max = jnp.full((NUM_LINKS,), 500.0, dtype=jnp.float32)
    return {"x_hat": x_hat, "alpha": alpha, "beta": beta, "q_hat": q_hat,
            "D": D, "M": M, "t_min": t_min, "x_max": x_max}


def reference(x_hat, alpha, beta, q_hat, D, M, t_min, x_max):
    # BPR travel time per link
    t = t_min * (1.0 + alpha * (x_hat / x_max)) ** beta
    # path utilities [num_paths]
    path_utilities = D.T @ t
    # segment (per-OD) softmax over paths: each path column of M is one-hot,
    # so row index of the 1 gives the path's OD segment id
    seg = jnp.argmax(M, axis=0)  # int32 constant, [num_paths]
    num_od = M.shape[0]
    seg_max = jax.lax.stop_gradient(
        jax.ops.segment_max(path_utilities, seg, num_segments=num_od))
    e = jnp.exp(path_utilities - seg_max[seg])
    denom = jax.ops.segment_sum(e, seg, num_segments=num_od)
    p = e / denom[seg]
    # expand OD demand to paths and split by choice probability
    q_vector = M.T @ q_hat  # [num_paths]
    f = q_vector * p        # path flows
    # link flows
    x = f @ D.T             # [num_links]
    return (x, t, f, p)

if __name__ == "__main__":
    import jax
    _d = setup_inputs()
    print(jax.jit(kernel)(*tuple(_d.values())))

</pallas_src>

<mosaic_0001>
#map = affine_map<(d0, d1) -> (0)>
module attributes {stable_mosaic.version = 14 : i64} {
  func.func @k(%arg0: i32, %arg1: i32, %arg2: memref<2560xf32, #tpu.memory_space<hbm>>, %arg3: memref<2560xf32, #tpu.memory_space<hbm>>, %arg4: memref<2560xf32, #tpu.memory_space<hbm>>, %arg5: memref<2560xf32, #tpu.memory_space<hbm>>, %arg6: memref<2560xf32, #tpu.memory_space<hbm>>, %arg7: memref<2560xf32, #tpu.memory_space<hbm>>, %arg8: memref<2560xf32, #tpu.memory_space<hbm>>, %arg9: memref<2560xf32, #tpu.memory_space<hbm>>, %arg10: memref<2560xf32, #tpu.memory_space<hbm>>, %arg11: memref<2560xf32, #tpu.memory_space<hbm>>, %arg12: memref<80xf32, #tpu.memory_space<vmem>>, %arg13: memref<80xf32, #tpu.memory_space<vmem>>, %arg14: memref<80xf32, #tpu.memory_space<vmem>>, %arg15: memref<80xf32, #tpu.memory_space<vmem>>, %arg16: memref<80xf32, #tpu.memory_space<vmem>>, %arg17: memref<80xf32, #tpu.memory_space<vmem>>, %arg18: memref<80xf32, #tpu.memory_space<vmem>>, %arg19: memref<80xf32, #tpu.memory_space<vmem>>, %arg20: memref<80xf32, #tpu.memory_space<vmem>>, %arg21: memref<80xf32, #tpu.memory_space<vmem>>) attributes {dimension_semantics = [#tpu.dimension_semantics<core_parallel>, #tpu.dimension_semantics<subcore_parallel>], iteration_bounds = array<i64: 2, 16>, scalar_prefetch = 0 : i64, scratch_operands = 10 : i64, tpu.core_type = #tpu.core_type<sc_vector_subcore>, window_params = [{transform_indices = #map}, {transform_indices = #map}, {transform_indices = #map}, {transform_indices = #map}, {transform_indices = #map}, {transform_indices = #map}, {transform_indices = #map}, {transform_indices = #map}, {transform_indices = #map}, {transform_indices = #map}]} {
    %mul3A = arith.constant 2 : i32
    %mul3A_0 = arith.muli %arg1, %mul3A : i32
    %add3A = arith.addi %mul3A_0, %arg0 : i32
    %mul3A_1 = arith.constant 80 : i32
    %mul3A_2 = arith.muli %add3A, %mul3A_1 : i32
    "tpu.region"() ({
      %run_scoped3A = tpu.sem_alloc : memref<!tpu.dma_semaphore, #tpu.memory_space<semaphore_mem>>
      %dma_start3A = tpu.memref_slice %arg2[%mul3A_2] : memref<2560xf32, #tpu.memory_space<hbm>> -> memref<80xf32, #tpu.memory_space<hbm>>
      %dma_start3A_272 = tpu.memref_slice %arg2[%mul3A_2] : memref<2560xf32, #tpu.memory_space<hbm>> -> memref<80xf32, #tpu.memory_space<hbm>>
      tpu.enqueue_dma source(%dma_start3A_272 : memref<80xf32, #tpu.memory_space<hbm>>) target(%arg12 : memref<80xf32, #tpu.memory_space<vmem>>) target_semaphore(%run_scoped3A : memref<!tpu.dma_semaphore, #tpu.memory_space<semaphore_mem>>)
      %dma_wait3A = tpu.memref_slice %arg2[%mul3A_2] : memref<2560xf32, #tpu.memory_space<hbm>> -> memref<80xf32, #tpu.memory_space<hbm>>
      %dma_wait3A_273 = tpu.memref_slice %arg2[%mul3A_2] : memref<2560xf32, #tpu.memory_space<hbm>> -> memref<80xf32, #tpu.memory_space<hbm>>
      tpu.wait_dma2 semaphore(%run_scoped3A : memref<!tpu.dma_semaphore, #tpu.memory_space<semaphore_mem>>) src(%dma_wait3A_273 : memref<80xf32, #tpu.memory_space<hbm>>) dst(%arg12 : memref<80xf32, #tpu.memory_space<vmem>>)
      tpu.yield
    }) : () -> ()
    "tpu.region"() ({
      %run_scoped3A = tpu.sem_alloc : memref<!tpu.dma_semaphore, #tpu.memory_space<semaphore_mem>>
      %dma_start3A = tpu.memref_slice %arg3[%mul3A_2] : memref<2560xf32, #tpu.memory_space<hbm>> -> memref<80xf32, #tpu.memory_space<hbm>>
      %dma_start3A_272 = tpu.memref_slice %arg3[%mul3A_2] : memref<2560xf32, #tpu.memory_space<hbm>> -> memref<80xf32, #tpu.memory_space<hbm>>
      tpu.enqueue_dma source(%dma_start3A_272 : memref<80xf32, #tpu.memory_space<hbm>>) target(%arg13 : memref<80xf32, #tpu.memory_space<vmem>>) target_semaphore(%run_scoped3A : memref<!tpu.dma_semaphore, #tpu.memory_space<semaphore_mem>>)
      %dma_wait3A = tpu.memref_slice %arg3[%mul3A_2] : memref<2560xf32, #tpu.memory_space<hbm>> -> memref<80xf32, #tpu.memory_space<hbm>>
      %dma_wait3A_273 = tpu.memref_slice %arg3[%mul3A_2] : memref<2560xf32, #tpu.memory_space<hbm>> -> memref<80xf32, #tpu.memory_space<hbm>>
      tpu.wait_dma2 semaphore(%run_scoped3A : memref<!tpu.dma_semaphore, #tpu.memory_space<semaphore_mem>>) src(%dma_wait3A_273 : memref<80xf32, #tpu.memory_space<hbm>>) dst(%arg13 : memref<80xf32, #tpu.memory_space<vmem>>)
      tpu.yield
    }) : () -> ()
    "tpu.region"() ({
      %run_scoped3A = tpu.sem_alloc : memref<!tpu.dma_semaphore, #tpu.memory_space<semaphore_mem>>
      %dma_start3A = tpu.memref_slice %arg4[%mul3A_2] : memref<2560xf32, #tpu.memory_space<hbm>> -> memref<80xf32, #tpu.memory_space<hbm>>
      %dma_start3A_272 = tpu.memref_slice %arg4[%mul3A_2] : memref<2560xf32, #tpu.memory_space<hbm>> -> memref<80xf32, #tpu.memory_space<hbm>>
      tpu.enqueue_dma source(%dma_start3A_272 : memref<80xf32, #tpu.memory_space<hbm>>) target(%arg14 : memref<80xf32, #tpu.memory_space<vmem>>) target_semaphore(%run_scoped3A : memref<!tpu.dma_semaphore, #tpu.memory_space<semaphore_mem>>)
      %dma_wait3A = tpu.memref_slice %arg4[%mul3A_2] : memref<2560xf32, #tpu.memory_space<hbm>> -> memref<80xf32, #tpu.memory_space<hbm>>
      %dma_wait3A_273 = tpu.memref_slice %arg4[%mul3A_2] : memref<2560xf32, #tpu.memory_space<hbm>> -> memref<80xf32, #tpu.memory_space<hbm>>
      tpu.wait_dma2 semaphore(%run_scoped3A : memref<!tpu.dma_semaphore, #tpu.memory_space<semaphore_mem>>) src(%dma_wait3A_273 : memref<80xf32, #tpu.memory_space<hbm>>) dst(%arg14 : memref<80xf32, #tpu.memory_space<vmem>>)
      tpu.yield
    }) : () -> ()
    "tpu.region"() ({
      %run_scoped3A = tpu.sem_alloc : memref<!tpu.dma_semaphore, #tpu.memory_space<semaphore_mem>>
      %dma_start3A = tpu.memref_slice %arg5[%mul3A_2] : memref<2560xf32, #tpu.memory_space<hbm>> -> memref<80xf32, #tpu.memory_space<hbm>>
      %dma_start3A_272 = tpu.memref_slice %arg5[%mul3A_2] : memref<2560xf32, #tpu.memory_space<hbm>> -> memref<80xf32, #tpu.memory_space<hbm>>
      tpu.enqueue_dma source(%dma_start3A_272 : memref<80xf32, #tpu.memory_space<hbm>>) target(%arg15 : memref<80xf32, #tpu.memory_space<vmem>>) target_semaphore(%run_scoped3A : memref<!tpu.dma_semaphore, #tpu.memory_space<semaphore_mem>>)
      %dma_wait3A = tpu.memref_slice %arg5[%mul3A_2] : memref<2560xf32, #tpu.memory_space<hbm>> -> memref<80xf32, #tpu.memory_space<hbm>>
      %dma_wait3A_273 = tpu.memref_slice %arg5[%mul3A_2] : memref<2560xf32, #tpu.memory_space<hbm>> -> memref<80xf32, #tpu.memory_space<hbm>>
      tpu.wait_dma2 semaphore(%run_scoped3A : memref<!tpu.dma_semaphore, #tpu.memory_space<semaphore_mem>>) src(%dma_wait3A_273 : memref<80xf32, #tpu.memory_space<hbm>>) dst(%arg15 : memref<80xf32, #tpu.memory_space<vmem>>)
      tpu.yield
    }) : () -> ()
    %get3A = arith.constant 0 : index
    %get3A_3 = tpu.vector_load %arg12[%get3A] {strides = array<i32>} : memref<80xf32, #tpu.memory_space<vmem>>, vector<16xf32>,
    %get3A_4 = vector.shape_cast %get3A_3 : vector<16xf32> to vector<16xf32>
    %get3A_5 = arith.constant 0 : index
    %get3A_6 = tpu.vector_load %arg13[%get3A_5] {strides = array<i32>} : memref<80xf32, #tpu.memory_space<vmem>>, vector<16xf32>,
    %get3A_7 = vector.shape_cast %get3A_6 : vector<16xf32> to vector<16xf32>
    %get3A_8 = arith.constant 0 : index
    %get3A_9 = tpu.vector_load %arg14[%get3A_8] {strides = array<i32>} : memref<80xf32, #tpu.memory_space<vmem>>, vector<16xf32>,
    %get3A_10 = vector.shape_cast %get3A_9 : vector<16xf32> to vector<16xf32>
    %max3A = arith.maximumf %get3A_7, %get3A_10 : vector<16xf32>
    %max3A_11 = arith.maximumf %get3A_4, %max3A : vector<16xf32>
    %sub3A = arith.subf %get3A_4, %max3A_11 : vector<16xf32>
    %exp3A = math.exp %sub3A : vector<16xf32>
    %sub3A_12 = arith.subf %get3A_7, %max3A_11 : vector<16xf32>
    %exp3A_13 = math.exp %sub3A_12 : vector<16xf32>
    %sub3A_14 = arith.subf %get3A_10, %max3A_11 : vector<16xf32>
    %exp3A_15 = math.exp %sub3A_14 : vector<16xf32>
    %add3A_16 = arith.addf %exp3A, %exp3A_13 : vector<16xf32>
    %add3A_17 = arith.addf %add3A_16, %exp3A_15 : vector<16xf32>
    %div3A = arith.constant 1.000000e+00 : f32
    %div3A_18 = vector.broadcast %div3A : f32 to vector<16xf32>
    %div3A_19 = arith.divf %div3A_18, %add3A_17 : vector<16xf32>
    %mul3A_20 = arith.mulf %exp3A, %div3A_19 : vector<16xf32>
    %mul3A_21 = arith.mulf %exp3A_13, %div3A_19 : vector<16xf32>
    %mul3A_22 = arith.mulf %exp3A_15, %div3A_19 : vector<16xf32>
    %get3A_23 = arith.constant 0 : index
    %get3A_24 = tpu.vector_load %arg15[%get3A_23] {strides = array<i32>} : memref<80xf32, #tpu.memory_space<vmem>>, vector<16xf32>,
    %get3A_25 = vector.shape_cast %get3A_24 : vector<16xf32> to vector<16xf32>
    %swap3A = arith.constant 0 : index
    %swap3A_26 = tpu.vector_load %arg16[%swap3A] {strides = array<i32>} : memref<80xf32, #tpu.memory_space<vmem>>, vector<16xf32>,
    %swap3A_27 = vector.shape_cast %swap3A_26 : vector<16xf32> to vector<16xf32>
    %swap3A_28 = vector.shape_cast %mul3A_20 : vector<16xf32> to vector<16xf32>
    tpu.vector_store %arg16[%swap3A], %swap3A_28 {strides = array<i32>} : memref<80xf32, #tpu.memory_space<vmem>>, vector<16xf32>,
    %swap3A_29 = arith.constant 0 : index
    %swap3A_30 = tpu.vector_load %arg17[%swap3A_29] {strides = array<i32>} : memref<80xf32, #tpu.memory_space<vmem>>, vector<16xf32>,
    %swap3A_31 = vector.shape_cast %swap3A_30 : vector<16xf32> to vector<16xf32>
    %swap3A_32 = vector.shape_cast %mul3A_21 : vector<16xf32> to vector<16xf32>
    tpu.vector_store %arg17[%swap3A_29], %swap3A_32 {strides = array<i32>} : memref<80xf32, #tpu.memory_space<vmem>>, vector<16xf32>,
    %swap3A_33 = arith.constant 0 : index
    %swap3A_34 = tpu.vector_load %arg18[%swap3A_33] {strides = array<i32>} : memref<80xf32, #tpu.memory_space<vmem>>, vector<16xf32>,
    %swap3A_35 = vector.shape_cast %swap3A_34 : vector<16xf32> to vector<16xf32>
    %swap3A_36 = vector.shape_cast %mul3A_22 : vector<16xf32> to vector<16xf32>
    tpu.vector_store %arg18[%swap3A_33], %swap3A_36 {strides = array<i32>} : memref<80xf32, #tpu.memory_space<vmem>>, vector<16xf32>,
    %mul3A_37 = arith.mulf %get3A_25, %mul3A_20 : vector<16xf32>
    %swap3A_38 = arith.constant 0 : index
    %swap3A_39 = tpu.vector_load %arg19[%swap3A_38] {strides = array<i32>} : memref<80xf32, #tpu.memory_space<vmem>>, vector<16xf32>,
    %swap3A_40 = vector.shape_cast %swap3A_39 : vector<16xf32> to vector<16xf32>
    %swap3A_41 = vector.shape_cast %mul3A_37 : vector<16xf32> to vector<16xf32>
    tpu.vector_store %arg19[%swap3A_38], %swap3A_41 {strides = array<i32>} : memref<80xf32, #tpu.memory_space<vmem>>, vector<16xf32>,
    %mul3A_42 = arith.mulf %get3A_25, %mul3A_21 : vector<16xf32>
    %swap3A_43 = arith.constant 0 : index
    %swap3A_44 = tpu.vector_load %arg20[%swap3A_43] {strides = array<i32>} : memref<80xf32, #tpu.memory_space<vmem>>, vector<16xf32>,
    %swap3A_45 = vector.shape_cast %swap3A_44 : vector<16xf32> to vector<16xf32>
    %swap3A_46 = vector.shape_cast %mul3A_42 : vector<16xf32> to vector<16xf32>
    tpu.vector_store %arg20[%swap3A_43], %swap3A_46 {strides = array<i32>} : memref<80xf32, #tpu.memory_space<vmem>>, vector<16xf32>,
    %mul3A_47 = arith.mulf %get3A_25, %mul3A_22 : vector<16xf32>
    %swap3A_48 = arith.constant 0 : index
    %swap3A_49 = tpu.vector_load %arg21[%swap3A_48] {strides = array<i32>} : memref<80xf32, #tpu.memory_space<vmem>>, vector<16xf32>,
    %swap3A_50 = vector.shape_cast %swap3A_49 : vector<16xf32> to vector<16xf32>
    %swap3A_51 = vector.shape_cast %mul3A_47 : vector<16xf32> to vector<16xf32>
    tpu.vector_store %arg21[%swap3A_48], %swap3A_51 {strides = array<i32>} : memref<80xf32, #tpu.memory_space<vmem>>, vector<16xf32>,
    %get3A_52 = arith.constant 16 : index
    %get3A_53 = tpu.vector_load %arg12[%get3A_52] {strides = array<i32>} : memref<80xf32, #tpu.memory_space<vmem>>, vector<16xf32>,
    %get3A_54 = vector.shape_cast %get3A_53 : vector<16xf32> to vector<16xf32>
    %get3A_55 = arith.constant 16 : index
    %get3A_56 = tpu.vector_load %arg13[%get3A_55] {strides = array<i32>} : memref<80xf32, #tpu.memory_space<vmem>>, vector<16xf32>,
    %get3A_57 = vector.shape_cast %get3A_56 : vector<16xf32> to vector<16xf32>
    %get3A_58 = arith.constant 16 : index
    %get3A_59 = tpu.vector_load %arg14[%get3A_58] {strides = array<i32>} : memref<80xf32, #tpu.memory_space<vmem>>, vector<16xf32>,
    %get3A_60 = vector.shape_cast %get3A_59 : vector<16xf32> to vector<16xf32>
    %max3A_61 = arith.maximumf %get3A_57, %get3A_60 : vector<16xf32>
    %max3A_62 = arith.maximumf %get3A_54, %max3A_61 : vector<16xf32>
    %sub3A_63 = arith.subf %get3A_54, %max3A_62 : vector<16xf32>
    %exp3A_64 = math.exp %sub3A_63 : vector<16xf32>
    %sub3A_65 = arith.subf %get3A_57, %max3A_62 : vector<16xf32>
    %exp3A_66 = math.exp %sub3A_65 : vector<16xf32>
    %sub3A_67 = arith.subf %get3A_60, %max3A_62 : vector<16xf32>
    %exp3A_68 = math.exp %sub3A_67 : vector<16xf32>
    %add3A_69 = arith.addf %exp3A_64, %exp3A_66 : vector<16xf32>
    %add3A_70 = arith.addf %add3A_69, %exp3A_68 : vector<16xf32>
    %div3A_71 = arith.constant 1.000000e+00 : f32
    %div3A_72 = vector.broadcast %div3A_71 : f32 to vector<16xf32>
    %div3A_73 = arith.divf %div3A_72, %add3A_70 : vector<16xf32>
    %mul3A_74 = arith.mulf %exp3A_64, %div3A_73 : vector<16xf32>
    %mul3A_75 = arith.mulf %exp3A_66, %div3A_73 : vector<16xf32>
    %mul3A_76 = arith.mulf %exp3A_68, %div3A_73 : vector<16xf32>
    %get3A_77 = arith.constant 16 : index
    %get3A_78 = tpu.vector_load %arg15[%get3A_77] {strides = array<i32>} : memref<80xf32, #tpu.memory_space<vmem>>, vector<16xf32>,
    %get3A_79 = vector.shape_cast %get3A_78 : vector<16xf32> to vector<16xf32>
    %swap3A_80 = arith.constant 16 : index
    %swap3A_81 = tpu.vector_load %arg16[%swap3A_80] {strides = array<i32>} : memref<80xf32, #tpu.memory_space<vmem>>, vector<16xf32>,
    %swap3A_82 = vector.shape_cast %swap3A_81 : vector<16xf32> to vector<16xf32>
    %swap3A_83 = vector.shape_cast %mul3A_74 : vector<16xf32> to vector<16xf32>
    tpu.vector_store %arg16[%swap3A_80], %swap3A_83 {strides = array<i32>} : memref<80xf32, #tpu.memory_space<vmem>>, vector<16xf32>,
    %swap3A_84 = arith.constant 16 : index
    %swap3A_85 = tpu.vector_load %arg17[%swap3A_84] {strides = array<i32>} : memref<80xf32, #tpu.memory_space<vmem>>, vector<16xf32>,
    %swap3A_86 = vector.shape_cast %swap3A_85 : vector<16xf32> to vector<16xf32>
    %swap3A_87 = vector.shape_cast %mul3A_75 : vector<16xf32> to vector<16xf32>
    tpu.vector_store %arg17[%swap3A_84], %swap3A_87 {strides = array<i32>} : memref<80xf32, #tpu.memory_space<vmem>>, vector<16xf32>,
    %swap3A_88 = arith.constant 16 : index
    %swap3A_89 = tpu.vector_load %arg18[%swap3A_88] {strides = array<i32>} : memref<80xf32, #tpu.memory_space<vmem>>, vector<16xf32>,
    %swap3A_90 = vector.shape_cast %swap3A_89 : vector<16xf32> to vector<16xf32>
    %swap3A_91 = vector.shape_cast %mul3A_76 : vector<16xf32> to vector<16xf32>
    tpu.vector_store %arg18[%swap3A_88], %swap3A_91 {strides = array<i32>} : memref<80xf32, #tpu.memory_space<vmem>>, vector<16xf32>,
    %mul3A_92 = arith.mulf %get3A_79, %mul3A_74 : vector<16xf32>
    %swap3A_93 = arith.constant 16 : index
    %swap3A_94 = tpu.vector_load %arg19[%swap3A_93] {strides = array<i32>} : memref<80xf32, #tpu.memory_space<vmem>>, vector<16xf32>,
    %swap3A_95 = vector.shape_cast %swap3A_94 : vector<16xf32> to vector<16xf32>
    %swap3A_96 = vector.shape_cast %mul3A_92 : vector<16xf32> to vector<16xf32>
    tpu.vector_store %arg19[%swap3A_93], %swap3A_96 {strides = array<i32>} : memref<80xf32, #tpu.memory_space<vmem>>, vector<16xf32>,
    %mul3A_97 = arith.mulf %get3A_79, %mul3A_75 : vector<16xf32>
    %swap3A_98 = arith.constant 16 : index
    %swap3A_99 = tpu.vector_load %arg20[%swap3A_98] {strides = array<i32>} : memref<80xf32, #tpu.memory_space<vmem>>, vector<16xf32>,
    %swap3A_100 = vector.shape_cast %swap3A_99 : vector<16xf32> to vector<16xf32>
    %swap3A_101 = vector.shape_cast %mul3A_97 : vector<16xf32> to vector<16xf32>
    tpu.vector_store %arg20[%swap3A_98], %swap3A_101 {strides = array<i32>} : memref<80xf32, #tpu.memory_space<vmem>>, vector<16xf32>,
    %mul3A_102 = arith.mulf %get3A_79, %mul3A_76 : vector<16xf32>
    %swap3A_103 = arith.constant 16 : index
    %swap3A_104 = tpu.vector_load %arg21[%swap3A_103] {strides = array<i32>} : memref<80xf32, #tpu.memory_space<vmem>>, vector<16xf32>,
    %swap3A_105 = vector.shape_cast %swap3A_104 : vector<16xf32> to vector<16xf32>
    %swap3A_106 = vector.shape_cast %mul3A_102 : vector<16xf32> to vector<16xf32>
    tpu.vector_store %arg21[%swap3A_103], %swap3A_106 {strides = array<i32>} : memref<80xf32, #tpu.memory_space<vmem>>, vector<16xf32>,
    %get3A_107 = arith.constant 32 : index
    %get3A_108 = tpu.vector_load %arg12[%get3A_107] {strides = array<i32>} : memref<80xf32, #tpu.memory_space<vmem>>, vector<16xf32>,
    %get3A_109 = vector.shape_cast %get3A_108 : vector<16xf32> to vector<16xf32>
    %get3A_110 = arith.constant 32 : index
    %get3A_111 = tpu.vector_load %arg13[%get3A_110] {strides = array<i32>} : memref<80xf32, #tpu.memory_space<vmem>>, vector<16xf32>,
    %get3A_112 = vector.shape_cast %get3A_111 : vector<16xf32> to vector<16xf32>
    %get3A_113 = arith.constant 32 : index
    %get3A_114 = tpu.vector_load %arg14[%get3A_113] {strides = array<i32>} : memref<80xf32, #tpu.memory_space<vmem>>, vector<16xf32>,
    %get3A_115 = vector.shape_cast %get3A_114 : vector<16xf32> to vector<16xf32>
    %max3A_116 = arith.maximumf %get3A_112, %get3A_115 : vector<16xf32>
    %max3A_117 = arith.maximumf %get3A_109, %max3A_116 : vector<16xf32>
    %sub3A_118 = arith.subf %get3A_109, %max3A_117 : vector<16xf32>
    %exp3A_119 = math.exp %sub3A_118 : vector<16xf32>
    %sub3A_120 = arith.subf %get3A_112, %max3A_117 : vector<16xf32>
    %exp3A_121 = math.exp %sub3A_120 : vector<16xf32>
    %sub3A_122 = arith.subf %get3A_115, %max3A_117 : vector<16xf32>
    %exp3A_123 = math.exp %sub3A_122 : vector<16xf32>
    %add3A_124 = arith.addf %exp3A_119, %exp3A_121 : vector<16xf32>
    %add3A_125 = arith.addf %add3A_124, %exp3A_123 : vector<16xf32>
    %div3A_126 = arith.constant 1.000000e+00 : f32
    %div3A_127 = vector.broadcast %div3A_126 : f32 to vector<16xf32>
    %div3A_128 = arith.divf %div3A_127, %add3A_125 : vector<16xf32>
    %mul3A_129 = arith.mulf %exp3A_119, %div3A_128 : vector<16xf32>
    %mul3A_130 = arith.mulf %exp3A_121, %div3A_128 : vector<16xf32>
    %mul3A_131 = arith.mulf %exp3A_123, %div3A_128 : vector<16xf32>
    %get3A_132 = arith.constant 32 : index
    %get3A_133 = tpu.vector_load %arg15[%get3A_132] {strides = array<i32>} : memref<80xf32, #tpu.memory_space<vmem>>, vector<16xf32>,
    %get3A_134 = vector.shape_cast %get3A_133 : vector<16xf32> to vector<16xf32>
    %swap3A_135 = arith.constant 32 : index
    %swap3A_136 = tpu.vector_load %arg16[%swap3A_135] {strides = array<i32>} : memref<80xf32, #tpu.memory_space<vmem>>, vector<16xf32>,
    %swap3A_137 = vector.shape_cast %swap3A_136 : vector<16xf32> to vector<16xf32>
    %swap3A_138 = vector.shape_cast %mul3A_129 : vector<16xf32> to vector<16xf32>
    tpu.vector_store %arg16[%swap3A_135], %swap3A_138 {strides = array<i32>} : memref<80xf32, #tpu.memory_space<vmem>>, vector<16xf32>,
    %swap3A_139 = arith.constant 32 : index
    %swap3A_140 = tpu.vector_load %arg17[%swap3A_139] {strides = array<i32>} : memref<80xf32, #tpu.memory_space<vmem>>, vector<16xf32>,
    %swap3A_141 = vector.shape_cast %swap3A_140 : vector<16xf32> to vector<16xf32>
    %swap3A_142 = vector.shape_cast %mul3A_130 : vector<16xf32> to vector<16xf32>
    tpu.vector_store %arg17[%swap3A_139], %swap3A_142 {strides = array<i32>} : memref<80xf32, #tpu.memory_space<vmem>>, vector<16xf32>,
    %swap3A_143 = arith.constant 32 : index
    %swap3A_144 = tpu.vector_load %arg18[%swap3A_143] {strides = array<i32>} : memref<80xf32, #tpu.memory_space<vmem>>, vector<16xf32>,
    %swap3A_145 = vector.shape_cast %swap3A_144 : vector<16xf32> to vector<16xf32>
    %swap3A_146 = vector.shape_cast %mul3A_131 : vector<16xf32> to vector<16xf32>
    tpu.vector_store %arg18[%swap3A_143], %swap3A_146 {strides = array<i32>} : memref<80xf32, #tpu.memory_space<vmem>>, vector<16xf32>,
    %mul3A_147 = arith.mulf %get3A_134, %mul3A_129 : vector<16xf32>
    %swap3A_148 = arith.constant 32 : index
    %swap3A_149 = tpu.vector_load %arg19[%swap3A_148] {strides = array<i32>} : memref<80xf32, #tpu.memory_space<vmem>>, vector<16xf32>,
    %swap3A_150 = vector.shape_cast %swap3A_149 : vector<16xf32> to vector<16xf32>
    %swap3A_151 = vector.shape_cast %mul3A_147 : vector<16xf32> to vector<16xf32>
    tpu.vector_store %arg19[%swap3A_148], %swap3A_151 {strides = array<i32>} : memref<80xf32, #tpu.memory_space<vmem>>, vector<16xf32>,
    %mul3A_152 = arith.mulf %get3A_134, %mul3A_130 : vector<16xf32>
    %swap3A_153 = arith.constant 32 : index
    %swap3A_154 = tpu.vector_load %arg20[%swap3A_153] {strides = array<i32>} : memref<80xf32, #tpu.memory_space<vmem>>, vector<16xf32>,
    %swap3A_155 = vector.shape_cast %swap3A_154 : vector<16xf32> to vector<16xf32>
    %swap3A_156 = vector.shape_cast %mul3A_152 : vector<16xf32> to vector<16xf32>
    tpu.vector_store %arg20[%swap3A_153], %swap3A_156 {strides = array<i32>} : memref<80xf32, #tpu.memory_space<vmem>>, vector<16xf32>,
    %mul3A_157 = arith.mulf %get3A_134, %mul3A_131 : vector<16xf32>
    %swap3A_158 = arith.constant 32 : index
    %swap3A_159 = tpu.vector_load %arg21[%swap3A_158] {strides = array<i32>} : memref<80xf32, #tpu.memory_space<vmem>>, vector<16xf32>,
    %swap3A_160 = vector.shape_cast %swap3A_159 : vector<16xf32> to vector<16xf32>
    %swap3A_161 = vector.shape_cast %mul3A_157 : vector<16xf32> to vector<16xf32>
    tpu.vector_store %arg21[%swap3A_158], %swap3A_161 {strides = array<i32>} : memref<80xf32, #tpu.memory_space<vmem>>, vector<16xf32>,
    %get3A_162 = arith.constant 48 : index
    %get3A_163 = tpu.vector_load %arg12[%get3A_162] {strides = array<i32>} : memref<80xf32, #tpu.memory_space<vmem>>, vector<16xf32>,
    %get3A_164 = vector.shape_cast %get3A_163 : vector<16xf32> to vector<16xf32>
    %get3A_165 = arith.constant 48 : index
    %get3A_166 = tpu.vector_load %arg13[%get3A_165] {strides = array<i32>} : memref<80xf32, #tpu.memory_space<vmem>>, vector<16xf32>,
    %get3A_167 = vector.shape_cast %get3A_166 : vector<16xf32> to vector<16xf32>
    %get3A_168 = arith.constant 48 : index
    %get3A_169 = tpu.vector_load %arg14[%get3A_168] {strides = array<i32>} : memref<80xf32, #tpu.memory_space<vmem>>, vector<16xf32>,
    %get3A_170 = vector.shape_cast %get3A_169 : vector<16xf32> to vector<16xf32>
    %max3A_171 = arith.maximumf %get3A_167, %get3A_170 : vector<16xf32>
    %max3A_172 = arith.maximumf %get3A_164, %max3A_171 : vector<16xf32>
    %sub3A_173 = arith.subf %get3A_164, %max3A_172 : vector<16xf32>
    %exp3A_174 = math.exp %sub3A_173 : vector<16xf32>
    %sub3A_175 = arith.subf %get3A_167, %max3A_172 : vector<16xf32>
    %exp3A_176 = math.exp %sub3A_175 : vector<16xf32>
    %sub3A_177 = arith.subf %get3A_170, %max3A_172 : vector<16xf32>
    %exp3A_178 = math.exp %sub3A_177 : vector<16xf32>
    %add3A_179 = arith.addf %exp3A_174, %exp3A_176 : vector<16xf32>
    %add3A_180 = arith.addf %add3A_179, %exp3A_178 : vector<16xf32>
    %div3A_181 = arith.constant 1.000000e+00 : f32
    %div3A_182 = vector.broadcast %div3A_181 : f32 to vector<16xf32>
    %div3A_183 = arith.divf %div3A_182, %add3A_180 : vector<16xf32>
    %mul3A_184 = arith.mulf %exp3A_174, %div3A_183 : vector<16xf32>
    %mul3A_185 = arith.mulf %exp3A_176, %div3A_183 : vector<16xf32>
    %mul3A_186 = arith.mulf %exp3A_178, %div3A_183 : vector<16xf32>
    %get3A_187 = arith.constant 48 : index
    %get3A_188 = tpu.vector_load %arg15[%get3A_187] {strides = array<i32>} : memref<80xf32, #tpu.memory_space<vmem>>, vector<16xf32>,
    %get3A_189 = vector.shape_cast %get3A_188 : vector<16xf32> to vector<16xf32>
    %swap3A_190 = arith.constant 48 : index
    %swap3A_191 = tpu.vector_load %arg16[%swap3A_190] {strides = array<i32>} : memref<80xf32, #tpu.memory_space<vmem>>, vector<16xf32>,
    %swap3A_192 = vector.shape_cast %swap3A_191 : vector<16xf32> to vector<16xf32>
    %swap3A_193 = vector.shape_cast %mul3A_184 : vector<16xf32> to vector<16xf32>
    tpu.vector_store %arg16[%swap3A_190], %swap3A_193 {strides = array<i32>} : memref<80xf32, #tpu.memory_space<vmem>>, vector<16xf32>,
    %swap3A_194 = arith.constant 48 : index
    %swap3A_195 = tpu.vector_load %arg17[%swap3A_194] {strides = array<i32>} : memref<80xf32, #tpu.memory_space<vmem>>, vector<16xf32>,
    %swap3A_196 = vector.shape_cast %swap3A_195 : vector<16xf32> to vector<16xf32>
    %swap3A_197 = vector.shape_cast %mul3A_185 : vector<16xf32> to vector<16xf32>
    tpu.vector_store %arg17[%swap3A_194], %swap3A_197 {strides = array<i32>} : memref<80xf32, #tpu.memory_space<vmem>>, vector<16xf32>,
    %swap3A_198 = arith.constant 48 : index
    %swap3A_199 = tpu.vector_load %arg18[%swap3A_198] {strides = array<i32>} : memref<80xf32, #tpu.memory_space<vmem>>, vector<16xf32>,
    %swap3A_200 = vector.shape_cast %swap3A_199 : vector<16xf32> to vector<16xf32>
    %swap3A_201 = vector.shape_cast %mul3A_186 : vector<16xf32> to vector<16xf32>
    tpu.vector_store %arg18[%swap3A_198], %swap3A_201 {strides = array<i32>} : memref<80xf32, #tpu.memory_space<vmem>>, vector<16xf32>,
    %mul3A_202 = arith.mulf %get3A_189, %mul3A_184 : vector<16xf32>
    %swap3A_203 = arith.constant 48 : index
    %swap3A_204 = tpu.vector_load %arg19[%swap3A_203] {strides = array<i32>} : memref<80xf32, #tpu.memory_space<vmem>>, vector<16xf32>,
    %swap3A_205 = vector.shape_cast %swap3A_204 : vector<16xf32> to vector<16xf32>
    %swap3A_206 = vector.shape_cast %mul3A_202 : vector<16xf32> to vector<16xf32>
    tpu.vector_store %arg19[%swap3A_203], %swap3A_206 {strides = array<i32>} : memref<80xf32, #tpu.memory_space<vmem>>, vector<16xf32>,
    %mul3A_207 = arith.mulf %get3A_189, %mul3A_185 : vector<16xf32>
    %swap3A_208 = arith.constant 48 : index
    %swap3A_209 = tpu.vector_load %arg20[%swap3A_208] {strides = array<i32>} : memref<80xf32, #tpu.memory_space<vmem>>, vector<16xf32>,
    %swap3A_210 = vector.shape_cast %swap3A_209 : vector<16xf32> to vector<16xf32>
    %swap3A_211 = vector.shape_cast %mul3A_207 : vector<16xf32> to vector<16xf32>
    tpu.vector_store %arg20[%swap3A_208], %swap3A_211 {strides = array<i32>} : memref<80xf32, #tpu.memory_space<vmem>>, vector<16xf32>,
    %mul3A_212 = arith.mulf %get3A_189, %mul3A_186 : vector<16xf32>
    %swap3A_213 = arith.constant 48 : index
    %swap3A_214 = tpu.vector_load %arg21[%swap3A_213] {strides = array<i32>} : memref<80xf32, #tpu.memory_space<vmem>>, vector<16xf32>,
    %swap3A_215 = vector.shape_cast %swap3A_214 : vector<16xf32> to vector<16xf32>
    %swap3A_216 = vector.shape_cast %mul3A_212 : vector<16xf32> to vector<16xf32>
    tpu.vector_store %arg21[%swap3A_213], %swap3A_216 {strides = array<i32>} : memref<80xf32, #tpu.memory_space<vmem>>, vector<16xf32>,
    %get3A_217 = arith.constant 64 : index
    %get3A_218 = tpu.vector_load %arg12[%get3A_217] {strides = array<i32>} : memref<80xf32, #tpu.memory_space<vmem>>, vector<16xf32>,
    %get3A_219 = vector.shape_cast %get3A_218 : vector<16xf32> to vector<16xf32>
    %get3A_220 = arith.constant 64 : index
    %get3A_221 = tpu.vector_load %arg13[%get3A_220] {strides = array<i32>} : memref<80xf32, #tpu.memory_space<vmem>>, vector<16xf32>,
    %get3A_222 = vector.shape_cast %get3A_221 : vector<16xf32> to vector<16xf32>
    %get3A_223 = arith.constant 64 : index
    %get3A_224 = tpu.vector_load %arg14[%get3A_223] {strides = array<i32>} : memref<80xf32, #tpu.memory_space<vmem>>, vector<16xf32>,
    %get3A_225 = vector.shape_cast %get3A_224 : vector<16xf32> to vector<16xf32>
    %max3A_226 = arith.maximumf %get3A_222, %get3A_225 : vector<16xf32>
    %max3A_227 = arith.maximumf %get3A_219, %max3A_226 : vector<16xf32>
    %sub3A_228 = arith.subf %get3A_219, %max3A_227 : vector<16xf32>
    %exp3A_229 = math.exp %sub3A_228 : vector<16xf32>
    %sub3A_230 = arith.subf %get3A_222, %max3A_227 : vector<16xf32>
    %exp3A_231 = math.exp %sub3A_230 : vector<16xf32>
    %sub3A_232 = arith.subf %get3A_225, %max3A_227 : vector<16xf32>
    %exp3A_233 = math.exp %sub3A_232 : vector<16xf32>
    %add3A_234 = arith.addf %exp3A_229, %exp3A_231 : vector<16xf32>
    %add3A_235 = arith.addf %add3A_234, %exp3A_233 : vector<16xf32>
    %div3A_236 = arith.constant 1.000000e+00 : f32
    %div3A_237 = vector.broadcast %div3A_236 : f32 to vector<16xf32>
    %div3A_238 = arith.divf %div3A_237, %add3A_235 : vector<16xf32>
    %mul3A_239 = arith.mulf %exp3A_229, %div3A_238 : vector<16xf32>
    %mul3A_240 = arith.mulf %exp3A_231, %div3A_238 : vector<16xf32>
    %mul3A_241 = arith.mulf %exp3A_233, %div3A_238 : vector<16xf32>
    %get3A_242 = arith.constant 64 : index
    %get3A_243 = tpu.vector_load %arg15[%get3A_242] {strides = array<i32>} : memref<80xf32, #tpu.memory_space<vmem>>, vector<16xf32>,
    %get3A_244 = vector.shape_cast %get3A_243 : vector<16xf32> to vector<16xf32>
    %swap3A_245 = arith.constant 64 : index
    %swap3A_246 = tpu.vector_load %arg16[%swap3A_245] {strides = array<i32>} : memref<80xf32, #tpu.memory_space<vmem>>, vector<16xf32>,
    %swap3A_247 = vector.shape_cast %swap3A_246 : vector<16xf32> to vector<16xf32>
    %swap3A_248 = vector.shape_cast %mul3A_239 : vector<16xf32> to vector<16xf32>
    tpu.vector_store %arg16[%swap3A_245], %swap3A_248 {strides = array<i32>} : memref<80xf32, #tpu.memory_space<vmem>>, vector<16xf32>,
    %swap3A_249 = arith.constant 64 : index
    %swap3A_250 = tpu.vector_load %arg17[%swap3A_249] {strides = array<i32>} : memref<80xf32, #tpu.memory_space<vmem>>, vector<16xf32>,
    %swap3A_251 = vector.shape_cast %swap3A_250 : vector<16xf32> to vector<16xf32>
    %swap3A_252 = vector.shape_cast %mul3A_240 : vector<16xf32> to vector<16xf32>
    tpu.vector_store %arg17[%swap3A_249], %swap3A_252 {strides = array<i32>} : memref<80xf32, #tpu.memory_space<vmem>>, vector<16xf32>,
    %swap3A_253 = arith.constant 64 : index
    %swap3A_254 = tpu.vector_load %arg18[%swap3A_253] {strides = array<i32>} : memref<80xf32, #tpu.memory_space<vmem>>, vector<16xf32>,
    %swap3A_255 = vector.shape_cast %swap3A_254 : vector<16xf32> to vector<16xf32>
    %swap3A_256 = vector.shape_cast %mul3A_241 : vector<16xf32> to vector<16xf32>
    tpu.vector_store %arg18[%swap3A_253], %swap3A_256 {strides = array<i32>} : memref<80xf32, #tpu.memory_space<vmem>>, vector<16xf32>,
    %mul3A_257 = arith.mulf %get3A_244, %mul3A_239 : vector<16xf32>
    %swap3A_258 = arith.constant 64 : index
    %swap3A_259 = tpu.vector_load %arg19[%swap3A_258] {strides = array<i32>} : memref<80xf32, #tpu.memory_space<vmem>>, vector<16xf32>,
    %swap3A_260 = vector.shape_cast %swap3A_259 : vector<16xf32> to vector<16xf32>
    %swap3A_261 = vector.shape_cast %mul3A_257 : vector<16xf32> to vector<16xf32>
    tpu.vector_store %arg19[%swap3A_258], %swap3A_261 {strides = array<i32>} : memref<80xf32, #tpu.memory_space<vmem>>, vector<16xf32>,
    %mul3A_262 = arith.mulf %get3A_244, %mul3A_240 : vector<16xf32>
    %swap3A_263 = arith.constant 64 : index
    %swap3A_264 = tpu.vector_load %arg20[%swap3A_263] {strides = array<i32>} : memref<80xf32, #tpu.memory_space<vmem>>, vector<16xf32>,
    %swap3A_265 = vector.shape_cast %swap3A_264 : vector<16xf32> to vector<16xf32>
    %swap3A_266 = vector.shape_cast %mul3A_262 : vector<16xf32> to vector<16xf32>
    tpu.vector_store %arg20[%swap3A_263], %swap3A_266 {strides = array<i32>} : memref<80xf32, #tpu.memory_space<vmem>>, vector<16xf32>,
    %mul3A_267 = arith.mulf %get3A_244, %mul3A_241 : vector<16xf32>
    %swap3A_268 = arith.constant 64 : index
    %swap3A_269 = tpu.vector_load %arg21[%swap3A_268] {strides = array<i32>} : memref<80xf32, #tpu.memory_space<vmem>>, vector<16xf32>,
    %swap3A_270 = vector.shape_cast %swap3A_269 : vector<16xf32> to vector<16xf32>
    %swap3A_271 = vector.shape_cast %mul3A_267 : vector<16xf32> to vector<16xf32>
    tpu.vector_store %arg21[%swap3A_268], %swap3A_271 {strides = array<i32>} : memref<80xf32, #tpu.memory_space<vmem>>, vector<16xf32>,
    "tpu.region"() ({
      %run_scoped3A = tpu.sem_alloc : memref<!tpu.dma_semaphore, #tpu.memory_space<semaphore_mem>>
      %dma_start3A = tpu.memref_slice %arg6[%mul3A_2] : memref<2560xf32, #tpu.memory_space<hbm>> -> memref<80xf32, #tpu.memory_space<hbm>>
      %dma_start3A_272 = tpu.memref_slice %arg6[%mul3A_2] : memref<2560xf32, #tpu.memory_space<hbm>> -> memref<80xf32, #tpu.memory_space<hbm>>
      tpu.enqueue_dma source(%arg16 : memref<80xf32, #tpu.memory_space<vmem>>) target(%dma_start3A_272 : memref<80xf32, #tpu.memory_space<hbm>>) target_semaphore(%run_scoped3A : memref<!tpu.dma_semaphore, #tpu.memory_space<semaphore_mem>>)
      %dma_wait3A = tpu.memref_slice %arg6[%mul3A_2] : memref<2560xf32, #tpu.memory_space<hbm>> -> memref<80xf32, #tpu.memory_space<hbm>>
      %dma_wait3A_273 = tpu.memref_slice %arg6[%mul3A_2] : memref<2560xf32, #tpu.memory_space<hbm>> -> memref<80xf32, #tpu.memory_space<hbm>>
      tpu.wait_dma2 semaphore(%run_scoped3A : memref<!tpu.dma_semaphore, #tpu.memory_space<semaphore_mem>>) src(%arg16 : memref<80xf32, #tpu.memory_space<vmem>>) dst(%dma_wait3A_273 : memref<80xf32, #tpu.memory_space<hbm>>)
      tpu.yield
    }) : () -> ()
    "tpu.region"() ({
      %run_scoped3A = tpu.sem_alloc : memref<!tpu.dma_semaphore, #tpu.memory_space<semaphore_mem>>
      %dma_start3A = tpu.memref_slice %arg7[%mul3A_2] : memref<2560xf32, #tpu.memory_space<hbm>> -> memref<80xf32, #tpu.memory_space<hbm>>
      %dma_start3A_272 = tpu.memref_slice %arg7[%mul3A_2] : memref<2560xf32, #tpu.memory_space<hbm>> -> memref<80xf32, #tpu.memory_space<hbm>>
      tpu.enqueue_dma source(%arg17 : memref<80xf32, #tpu.memory_space<vmem>>) target(%dma_start3A_272 : memref<80xf32, #tpu.memory_space<hbm>>) target_semaphore(%run_scoped3A : memref<!tpu.dma_semaphore, #tpu.memory_space<semaphore_mem>>)
      %dma_wait3A = tpu.memref_slice %arg7[%mul3A_2] : memref<2560xf32, #tpu.memory_space<hbm>> -> memref<80xf32, #tpu.memory_space<hbm>>
      %dma_wait3A_273 = tpu.memref_slice %arg7[%mul3A_2] : memref<2560xf32, #tpu.memory_space<hbm>> -> memref<80xf32, #tpu.memory_space<hbm>>
      tpu.wait_dma2 semaphore(%run_scoped3A : memref<!tpu.dma_semaphore, #tpu.memory_space<semaphore_mem>>) src(%arg17 : memref<80xf32, #tpu.memory_space<vmem>>) dst(%dma_wait3A_273 : memref<80xf32, #tpu.memory_space<hbm>>)
      tpu.yield
    }) : () -> ()
    "tpu.region"() ({
      %run_scoped3A = tpu.sem_alloc : memref<!tpu.dma_semaphore, #tpu.memory_space<semaphore_mem>>
      %dma_start3A = tpu.memref_slice %arg8[%mul3A_2] : memref<2560xf32, #tpu.memory_space<hbm>> -> memref<80xf32, #tpu.memory_space<hbm>>
      %dma_start3A_272 = tpu.memref_slice %arg8[%mul3A_2] : memref<2560xf32, #tpu.memory_space<hbm>> -> memref<80xf32, #tpu.memory_space<hbm>>
      tpu.enqueue_dma source(%arg18 : memref<80xf32, #tpu.memory_space<vmem>>) target(%dma_start3A_272 : memref<80xf32, #tpu.memory_space<hbm>>) target_semaphore(%run_scoped3A : memref<!tpu.dma_semaphore, #tpu.memory_space<semaphore_mem>>)
      %dma_wait3A = tpu.memref_slice %arg8[%mul3A_2] : memref<2560xf32, #tpu.memory_space<hbm>> -> memref<80xf32, #tpu.memory_space<hbm>>
      %dma_wait3A_273 = tpu.memref_slice %arg8[%mul3A_2] : memref<2560xf32, #tpu.memory_space<hbm>> -> memref<80xf32, #tpu.memory_space<hbm>>
      tpu.wait_dma2 semaphore(%run_scoped3A : memref<!tpu.dma_semaphore, #tpu.memory_space<semaphore_mem>>) src(%arg18 : memref<80xf32, #tpu.memory_space<vmem>>) dst(%dma_wait3A_273 : memref<80xf32, #tpu.memory_space<hbm>>)
      tpu.yield
    }) : () -> ()
    "tpu.region"() ({
      %run_scoped3A = tpu.sem_alloc : memref<!tpu.dma_semaphore, #tpu.memory_space<semaphore_mem>>
      %dma_start3A = tpu.memref_slice %arg9[%mul3A_2] : memref<2560xf32, #tpu.memory_space<hbm>> -> memref<80xf32, #tpu.memory_space<hbm>>
      %dma_start3A_272 = tpu.memref_slice %arg9[%mul3A_2] : memref<2560xf32, #tpu.memory_space<hbm>> -> memref<80xf32, #tpu.memory_space<hbm>>
      tpu.enqueue_dma source(%arg19 : memref<80xf32, #tpu.memory_space<vmem>>) target(%dma_start3A_272 : memref<80xf32, #tpu.memory_space<hbm>>) target_semaphore(%run_scoped3A : memref<!tpu.dma_semaphore, #tpu.memory_space<semaphore_mem>>)
      %dma_wait3A = tpu.memref_slice %arg9[%mul3A_2] : memref<2560xf32, #tpu.memory_space<hbm>> -> memref<80xf32, #tpu.memory_space<hbm>>
      %dma_wait3A_273 = tpu.memref_slice %arg9[%mul3A_2] : memref<2560xf32, #tpu.memory_space<hbm>> -> memref<80xf32, #tpu.memory_space<hbm>>
      tpu.wait_dma2 semaphore(%run_scoped3A : memref<!tpu.dma_semaphore, #tpu.memory_space<semaphore_mem>>) src(%arg19 : memref<80xf32, #tpu.memory_space<vmem>>) dst(%dma_wait3A_273 : memref<80xf32, #tpu.memory_space<hbm>>)
      tpu.yield
    }) : () -> ()
    "tpu.region"() ({
      %run_scoped3A = tpu.sem_alloc : memref<!tpu.dma_semaphore, #tpu.memory_space<semaphore_mem>>
      %dma_start3A = tpu.memref_slice %arg10[%mul3A_2] : memref<2560xf32, #tpu.memory_space<hbm>> -> memref<80xf32, #tpu.memory_space<hbm>>
      %dma_start3A_272 = tpu.memref_slice %arg10[%mul3A_2] : memref<2560xf32, #tpu.memory_space<hbm>> -> memref<80xf32, #tpu.memory_space<hbm>>
      tpu.enqueue_dma source(%arg20 : memref<80xf32, #tpu.memory_space<vmem>>) target(%dma_start3A_272 : memref<80xf32, #tpu.memory_space<hbm>>) target_semaphore(%run_scoped3A : memref<!tpu.dma_semaphore, #tpu.memory_space<semaphore_mem>>)
      %dma_wait3A = tpu.memref_slice %arg10[%mul3A_2] : memref<2560xf32, #tpu.memory_space<hbm>> -> memref<80xf32, #tpu.memory_space<hbm>>
      %dma_wait3A_273 = tpu.memref_slice %arg10[%mul3A_2] : memref<2560xf32, #tpu.memory_space<hbm>> -> memref<80xf32, #tpu.memory_space<hbm>>
      tpu.wait_dma2 semaphore(%run_scoped3A : memref<!tpu.dma_semaphore, #tpu.memory_space<semaphore_mem>>) src(%arg20 : memref<80xf32, #tpu.memory_space<vmem>>) dst(%dma_wait3A_273 : memref<80xf32, #tpu.memory_space<hbm>>)
      tpu.yield
    }) : () -> ()
    "tpu.region"() ({
      %run_scoped3A = tpu.sem_alloc : memref<!tpu.dma_semaphore, #tpu.memory_space<semaphore_mem>>
      %dma_start3A = tpu.memref_slice %arg11[%mul3A_2] : memref<2560xf32, #tpu.memory_space<hbm>> -> memref<80xf32, #tpu.memory_space<hbm>>
      %dma_start3A_272 = tpu.memref_slice %arg11[%mul3A_2] : memref<2560xf32, #tpu.memory_space<hbm>> -> memref<80xf32, #tpu.memory_space<hbm>>
      tpu.enqueue_dma source(%arg21 : memref<80xf32, #tpu.memory_space<vmem>>) target(%dma_start3A_272 : memref<80xf32, #tpu.memory_space<hbm>>) target_semaphore(%run_scoped3A : memref<!tpu.dma_semaphore, #tpu.memory_space<semaphore_mem>>)
      %dma_wait3A = tpu.memref_slice %arg11[%mul3A_2] : memref<2560xf32, #tpu.memory_space<hbm>> -> memref<80xf32, #tpu.memory_space<hbm>>
      %dma_wait3A_273 = tpu.memref_slice %arg11[%mul3A_2] : memref<2560xf32, #tpu.memory_space<hbm>> -> memref<80xf32, #tpu.memory_space<hbm>>
      tpu.wait_dma2 semaphore(%run_scoped3A : memref<!tpu.dma_semaphore, #tpu.memory_space<semaphore_mem>>) src(%arg21 : memref<80xf32, #tpu.memory_space<vmem>>) dst(%dma_wait3A_273 : memref<80xf32, #tpu.memory_space<hbm>>)
      tpu.yield
    }) : () -> ()
    return
  }
}

module attributes {stable_mosaic.version = 14 : i64} {
  func.func @body(%arg0: i32, %arg1: memref<2000x8xf32, #tpu.memory_space<vmem>>, %arg2: memref<40x7350xf32, #tpu.memory_space<vmem>>, %arg3: memref<2000x1xf32, #tpu.memory_space<vmem>>, %arg4: memref<1x7350xf32, #tpu.memory_space<vmem>>, %arg5: memref<8x7350xf32, #tpu.memory_space<vmem>>) attributes {dimension_semantics = [#tpu.dimension_semantics<arbitrary>], iteration_bounds = array<i64: 50>, scalar_prefetch = 0 : i64, scratch_operands = 1 : i64, tpu.core_type = #tpu.core_type<tc>, window_params = [{pipeline_mode = #tpu.pipeline_mode<synchronous>, transform_indices = @transform_0, window_bounds = array<i64: 2000, 8>}, {transform_indices = @transform_1, window_bounds = array<i64: 40, 7350>}, {pipeline_mode = #tpu.pipeline_mode<synchronous>, transform_indices = @transform_2, window_bounds = array<i64: 2000, 1>}, {pipeline_mode = #tpu.pipeline_mode<synchronous>, transform_indices = @transform_3, window_bounds = array<i64: 1, 7350>}]} {
    %mul3A = arith.constant 40 : i32
    %mul3A_0 = arith.muli %arg0, %mul3A : i32
    %get3A = arith.index_cast %mul3A_0 : i32 to index
    %get3A_1 = arith.constant 0 : index
    %get3A_2 = vector.load %arg1[%get3A, %get3A_1] : memref<2000x8xf32, #tpu.memory_space<vmem>>, vector<40x8xf32>
    %slice3A = vector.extract_strided_slice %get3A_2 {offsets = [0, 1], sizes = [40, 1], strides = [1, 1]} : vector<40x8xf32> to vector<40x1xf32>
    %slice3A_3 = vector.extract_strided_slice %get3A_2 {offsets = [0, 0], sizes = [40, 1], strides = [1, 1]} : vector<40x8xf32> to vector<40x1xf32>
    %slice3A_4 = vector.extract_strided_slice %get3A_2 {offsets = [0, 4], sizes = [40, 1], strides = [1, 1]} : vector<40x8xf32> to vector<40x1xf32>
    %div3A = arith.divf %slice3A_3, %slice3A_4 : vector<40x1xf32>
    %mul3A_5 = arith.mulf %slice3A, %div3A : vector<40x1xf32>
    %add3A = arith.constant 1.000000e+00 : f32
    %add3A_6 = vector.broadcast %add3A : f32 to vector<40x1xf32>
    %add3A_7 = arith.addf %add3A_6, %mul3A_5 : vector<40x1xf32>
    %slice3A_8 = vector.extract_strided_slice %get3A_2 {offsets = [0, 3], sizes = [40, 1], strides = [1, 1]} : vector<40x8xf32> to vector<40x1xf32>
    %slice3A_9 = vector.extract_strided_slice %get3A_2 {offsets = [0, 2], sizes = [40, 1], strides = [1, 1]} : vector<40x8xf32> to vector<40x1xf32>
    %log3A = math.log %add3A_7 : vector<40x1xf32>
    %mul3A_10 = arith.mulf %slice3A_9, %log3A : vector<40x1xf32>
    %exp3A = math.exp %mul3A_10 : vector<40x1xf32>
    %mul3A_11 = arith.mulf %slice3A_8, %exp3A : vector<40x1xf32>
    %mul3A_12 = arith.constant 40 : i32
    %mul3A_13 = arith.muli %arg0, %mul3A_12 : i32
    %swap3A = arith.index_cast %mul3A_13 : i32 to index
    %swap3A_14 = arith.constant 0 : index
    %swap3A_15 = vector.load %arg3[%swap3A, %swap3A_14] : memref<2000x1xf32, #tpu.memory_space<vmem>>, vector<40x1xf32>
    tpu.vector_store %arg3[%swap3A, %swap3A_14], %mul3A_11 {strides = array<i32>} : memref<2000x1xf32, #tpu.memory_space<vmem>>, vector<40x1xf32>,
    %eq3A = arith.constant 0 : i32
    %eq3A_16 = arith.cmpi eq, %arg0, %eq3A : i32
    %convert_element_type3A = arith.extui %eq3A_16 : i1 to i32
    %cond3A = arith.constant 0 : i32
    %cond3A_17 = arith.cmpi ne, %convert_element_type3A, %cond3A : i32
    scf.if %cond3A_17 {
      %broadcast_in_dim3A_66 = arith.constant 0.000000e+00 : f32
      %broadcast_in_dim3A_67 = vector.broadcast %broadcast_in_dim3A_66 : f32 to vector<8x7350xf32>
      %swap3A_68 = arith.constant 0 : index
      %swap3A_69 = arith.constant 0 : index
      %swap3A_70 = vector.load %arg5[%swap3A_68, %swap3A_69] : memref<8x7350xf32, #tpu.memory_space<vmem>>, vector<8x7350xf32>
      tpu.vector_store %arg5[%swap3A_68, %swap3A_69], %broadcast_in_dim3A_67 {strides = array<i32>} : memref<8x7350xf32, #tpu.memory_space<vmem>>, vector<8x7350xf32>,
    } else {
    }
    %broadcast_in_dim3A = arith.constant 0.000000e+00 : f32
    %broadcast_in_dim3A_18 = vector.broadcast %broadcast_in_dim3A : f32 to vector<8x7350xf32>
    %get3A_19 = arith.constant 0 : index
    %get3A_20 = arith.constant 0 : index
    %get3A_21 = vector.load %arg2[%get3A_19, %get3A_20] : memref<40x7350xf32, #tpu.memory_space<vmem>>, vector<8x7350xf32>
    %slice3A_22 = vector.extract_strided_slice %mul3A_11 {offsets = [0, 0], sizes = [8, 1], strides = [1, 1]} : vector<40x1xf32> to vector<8x1xf32>
    %mul3A_23 = vector.broadcast %slice3A_22 : vector<8x1xf32> to vector<8x7350xf32>
    %mul3A_24 = arith.mulf %get3A_21, %mul3A_23 : vector<8x7350xf32>
    %add3A_25 = arith.addf %broadcast_in_dim3A_18, %mul3A_24 : vector<8x7350xf32>
    %get3A_26 = arith.constant 8 : index
    %get3A_27 = arith.constant 0 : index
    %get3A_28 = vector.load %arg2[%get3A_26, %get3A_27] : memref<40x7350xf32, #tpu.memory_space<vmem>>, vector<8x7350xf32>
    %slice3A_29 = vector.extract_strided_slice %mul3A_11 {offsets = [8, 0], sizes = [8, 1], strides = [1, 1]} : vector<40x1xf32> to vector<8x1xf32>
    %mul3A_30 = vector.broadcast %slice3A_29 : vector<8x1xf32> to vector<8x7350xf32>
    %mul3A_31 = arith.mulf %get3A_28, %mul3A_30 : vector<8x7350xf32>
    %add3A_32 = arith.addf %add3A_25, %mul3A_31 : vector<8x7350xf32>
    %get3A_33 = arith.constant 16 : index
    %get3A_34 = arith.constant 0 : index
    %get3A_35 = vector.load %arg2[%get3A_33, %get3A_34] : memref<40x7350xf32, #tpu.memory_space<vmem>>, vector<8x7350xf32>
    %slice3A_36 = vector.extract_strided_slice %mul3A_11 {offsets = [16, 0], sizes = [8, 1], strides = [1, 1]} : vector<40x1xf32> to vector<8x1xf32>
    %mul3A_37 = vector.broadcast %slice3A_36 : vector<8x1xf32> to vector<8x7350xf32>
    %mul3A_38 = arith.mulf %get3A_35, %mul3A_37 : vector<8x7350xf32>
    %add3A_39 = arith.addf %add3A_32, %mul3A_38 : vector<8x7350xf32>
    %get3A_40 = arith.constant 24 : index
    %get3A_41 = arith.constant 0 : index
    %get3A_42 = vector.load %arg2[%get3A_40, %get3A_41] : memref<40x7350xf32, #tpu.memory_space<vmem>>, vector<8x7350xf32>
    %slice3A_43 = vector.extract_strided_slice %mul3A_11 {offsets = [24, 0], sizes = [8, 1], strides = [1, 1]} : vector<40x1xf32> to vector<8x1xf32>
    %mul3A_44 = vector.broadcast %slice3A_43 : vector<8x1xf32> to vector<8x7350xf32>
    %mul3A_45 = arith.mulf %get3A_42, %mul3A_44 : vector<8x7350xf32>
    %add3A_46 = arith.addf %add3A_39, %mul3A_45 : vector<8x7350xf32>
    %get3A_47 = arith.constant 32 : index
    %get3A_48 = arith.constant 0 : index
    %get3A_49 = vector.load %arg2[%get3A_47, %get3A_48] : memref<40x7350xf32, #tpu.memory_space<vmem>>, vector<8x7350xf32>
    %slice3A_50 = vector.extract_strided_slice %mul3A_11 {offsets = [32, 0], sizes = [8, 1], strides = [1, 1]} : vector<40x1xf32> to vector<8x1xf32>
    %mul3A_51 = vector.broadcast %slice3A_50 : vector<8x1xf32> to vector<8x7350xf32>
    %mul3A_52 = arith.mulf %get3A_49, %mul3A_51 : vector<8x7350xf32>
    %add3A_53 = arith.addf %add3A_46, %mul3A_52 : vector<8x7350xf32>
    %get3A_54 = arith.constant 0 : index
    %get3A_55 = arith.constant 0 : index
    %get3A_56 = vector.load %arg5[%get3A_54, %get3A_55] : memref<8x7350xf32, #tpu.memory_space<vmem>>, vector<8x7350xf32>
    %add3A_57 = arith.addf %get3A_56, %add3A_53 : vector<8x7350xf32>
    %swap3A_58 = arith.constant 0 : index
    %swap3A_59 = arith.constant 0 : index
    %swap3A_60 = vector.load %arg5[%swap3A_58, %swap3A_59] : memref<8x7350xf32, #tpu.memory_space<vmem>>, vector<8x7350xf32>
    tpu.vector_store %arg5[%swap3A_58, %swap3A_59], %add3A_57 {strides = array<i32>} : memref<8x7350xf32, #tpu.memory_space<vmem>>, vector<8x7350xf32>,
    %eq3A_61 = arith.constant 49 : i32
    %eq3A_62 = arith.cmpi eq, %arg0, %eq3A_61 : i32
    %convert_element_type3A_63 = arith.extui %eq3A_62 : i1 to i32
    %cond3A_64 = arith.constant 0 : i32
    %cond3A_65 = arith.cmpi ne, %convert_element_type3A_63, %cond3A_64 : i32
    scf.if %cond3A_65 {
      %get3A_66 = arith.constant 0 : index
      %get3A_67 = arith.constant 0 : index
      %get3A_68 = vector.load %arg5[%get3A_66, %get3A_67] : memref<8x7350xf32, #tpu.memory_space<vmem>>, vector<8x7350xf32>
      %reduce_sum3A = arith.constant dense<0.000000e+00> : vector<7350xf32>
      %reduce_sum3A_69 = vector.multi_reduction <add>, %get3A_68, %reduce_sum3A [0] : vector<8x7350xf32> to vector<7350xf32>
      %broadcast_in_dim3A_70 = vector.shape_cast %reduce_sum3A_69 : vector<7350xf32> to vector<1x7350xf32>
      %swap3A_71 = arith.constant 0 : index
      %swap3A_72 = arith.constant 0 : index
      %swap3A_73 = vector.load %arg4[%swap3A_71, %swap3A_72] : memref<1x7350xf32, #tpu.memory_space<vmem>>, vector<1x7350xf32>
      tpu.vector_store %arg4[%swap3A_71, %swap3A_72], %broadcast_in_dim3A_70 {strides = array<i32>} : memref<1x7350xf32, #tpu.memory_space<vmem>>, vector<1x7350xf32>,
    } else {
    }
    return
  }
  func.func @transform_0(%arg0: i32) -> (i32, i32) {
    %c0_i32 = arith.constant 0 : i32
    %c0_i32_0 = arith.constant 0 : i32
    %c0_i32_1 = arith.constant 0 : i32
    return %c0_i32, %c0_i32_0 : i32, i32
  }
  func.func @transform_1(%arg0: i32) -> (i32, i32) {
    %c0_i32 = arith.constant 0 : i32
    %c0_i32_0 = arith.constant 0 : i32
    return %arg0, %c0_i32 : i32, i32
  }
  func.func @transform_2(%arg0: i32) -> (i32, i32) {
    %c0_i32 = arith.constant 0 : i32
    %c0_i32_0 = arith.constant 0 : i32
    %c0_i32_1 = arith.constant 0 : i32
    return %c0_i32, %c0_i32_0 : i32, i32
  }
  func.func @transform_3(%arg0: i32) -> (i32, i32) {
    %c0_i32 = arith.constant 0 : i32
    %c0_i32_0 = arith.constant 0 : i32
    %c0_i32_1 = arith.constant 0 : i32
    return %c0_i32, %c0_i32_0 : i32, i32
  }
}

module attributes {stable_mosaic.version = 14 : i64} {
  func.func @body(%arg0: i32, %arg1: memref<1x7350xf32, #tpu.memory_space<vmem>>, %arg2: memref<40x7350xf32, #tpu.memory_space<vmem>>, %arg3: memref<2000x1xf32, #tpu.memory_space<vmem>>) attributes {dimension_semantics = [#tpu.dimension_semantics<arbitrary>], iteration_bounds = array<i64: 50>, scalar_prefetch = 0 : i64, scratch_operands = 0 : i64, tpu.core_type = #tpu.core_type<tc>, window_params = [{pipeline_mode = #tpu.pipeline_mode<synchronous>, transform_indices = @transform_0, window_bounds = array<i64: 1, 7350>}, {transform_indices = @transform_1, window_bounds = array<i64: 40, 7350>}, {pipeline_mode = #tpu.pipeline_mode<synchronous>, transform_indices = @transform_2, window_bounds = array<i64: 2000, 1>}]} {
    %get3A = arith.constant 0 : index
    %get3A_0 = arith.constant 0 : index
    %get3A_1 = vector.load %arg1[%get3A, %get3A_0] : memref<1x7350xf32, #tpu.memory_space<vmem>>, vector<1x7350xf32>
    %get3A_2 = arith.constant 0 : index
    %get3A_3 = arith.constant 0 : index
    %get3A_4 = vector.load %arg2[%get3A_2, %get3A_3] : memref<40x7350xf32, #tpu.memory_space<vmem>>, vector<8x7350xf32>
    %mul3A = vector.broadcast %get3A_1 : vector<1x7350xf32> to vector<8x7350xf32>
    %mul3A_5 = arith.mulf %get3A_4, %mul3A : vector<8x7350xf32>
    %reduce_sum3A = arith.constant dense<0.000000e+00> : vector<8xf32>
    %reduce_sum3A_6 = vector.multi_reduction <add>, %mul3A_5, %reduce_sum3A [1] : vector<8x7350xf32> to vector<8xf32>
    %broadcast_in_dim3A = vector.shape_cast %reduce_sum3A_6 : vector<8xf32> to vector<8x1xf32>
    %mul3A_7 = arith.constant 40 : i32
    %mul3A_8 = arith.muli %arg0, %mul3A_7 : i32
    %add3A = arith.constant 0 : i32
    %add3A_9 = arith.addi %mul3A_8, %add3A : i32
    %swap3A = arith.index_cast %add3A_9 : i32 to index
    %swap3A_10 = arith.constant 0 : index
    %swap3A_11 = vector.load %arg3[%swap3A, %swap3A_10] : memref<2000x1xf32, #tpu.memory_space<vmem>>, vector<8x1xf32>
    tpu.vector_store %arg3[%swap3A, %swap3A_10], %broadcast_in_dim3A {strides = array<i32>} : memref<2000x1xf32, #tpu.memory_space<vmem>>, vector<8x1xf32>,
    %get3A_12 = arith.constant 8 : index
    %get3A_13 = arith.constant 0 : index
    %get3A_14 = vector.load %arg2[%get3A_12, %get3A_13] : memref<40x7350xf32, #tpu.memory_space<vmem>>, vector<8x7350xf32>
    %mul3A_15 = vector.broadcast %get3A_1 : vector<1x7350xf32> to vector<8x7350xf32>
    %mul3A_16 = arith.mulf %get3A_14, %mul3A_15 : vector<8x7350xf32>
    %reduce_sum3A_17 = arith.constant dense<0.000000e+00> : vector<8xf32>
    %reduce_sum3A_18 = vector.multi_reduction <add>, %mul3A_16, %reduce_sum3A_17 [1] : vector<8x7350xf32> to vector<8xf32>
    %broadcast_in_dim3A_19 = vector.shape_cast %reduce_sum3A_18 : vector<8xf32> to vector<8x1xf32>
    %mul3A_20 = arith.constant 40 : i32
    %mul3A_21 = arith.muli %arg0, %mul3A_20 : i32
    %add3A_22 = arith.constant 8 : i32
    %add3A_23 = arith.addi %mul3A_21, %add3A_22 : i32
    %swap3A_24 = arith.index_cast %add3A_23 : i32 to index
    %swap3A_25 = arith.constant 0 : index
    %swap3A_26 = vector.load %arg3[%swap3A_24, %swap3A_25] : memref<2000x1xf32, #tpu.memory_space<vmem>>, vector<8x1xf32>
    tpu.vector_store %arg3[%swap3A_24, %swap3A_25], %broadcast_in_dim3A_19 {strides = array<i32>} : memref<2000x1xf32, #tpu.memory_space<vmem>>, vector<8x1xf32>,
    %get3A_27 = arith.constant 16 : index
    %get3A_28 = arith.constant 0 : index
    %get3A_29 = vector.load %arg2[%get3A_27, %get3A_28] : memref<40x7350xf32, #tpu.memory_space<vmem>>, vector<8x7350xf32>
    %mul3A_30 = vector.broadcast %get3A_1 : vector<1x7350xf32> to vector<8x7350xf32>
    %mul3A_31 = arith.mulf %get3A_29, %mul3A_30 : vector<8x7350xf32>
    %reduce_sum3A_32 = arith.constant dense<0.000000e+00> : vector<8xf32>
    %reduce_sum3A_33 = vector.multi_reduction <add>, %mul3A_31, %reduce_sum3A_32 [1] : vector<8x7350xf32> to vector<8xf32>
    %broadcast_in_dim3A_34 = vector.shape_cast %reduce_sum3A_33 : vector<8xf32> to vector<8x1xf32>
    %mul3A_35 = arith.constant 40 : i32
    %mul3A_36 = arith.muli %arg0, %mul3A_35 : i32
    %add3A_37 = arith.constant 16 : i32
    %add3A_38 = arith.addi %mul3A_36, %add3A_37 : i32
    %swap3A_39 = arith.index_cast %add3A_38 : i32 to index
    %swap3A_40 = arith.constant 0 : index
    %swap3A_41 = vector.load %arg3[%swap3A_39, %swap3A_40] : memref<2000x1xf32, #tpu.memory_space<vmem>>, vector<8x1xf32>
    tpu.vector_store %arg3[%swap3A_39, %swap3A_40], %broadcast_in_dim3A_34 {strides = array<i32>} : memref<2000x1xf32, #tpu.memory_space<vmem>>, vector<8x1xf32>,
    %get3A_42 = arith.constant 24 : index
    %get3A_43 = arith.constant 0 : index
    %get3A_44 = vector.load %arg2[%get3A_42, %get3A_43] : memref<40x7350xf32, #tpu.memory_space<vmem>>, vector<8x7350xf32>
    %mul3A_45 = vector.broadcast %get3A_1 : vector<1x7350xf32> to vector<8x7350xf32>
    %mul3A_46 = arith.mulf %get3A_44, %mul3A_45 : vector<8x7350xf32>
    %reduce_sum3A_47 = arith.constant dense<0.000000e+00> : vector<8xf32>
    %reduce_sum3A_48 = vector.multi_reduction <add>, %mul3A_46, %reduce_sum3A_47 [1] : vector<8x7350xf32> to vector<8xf32>
    %broadcast_in_dim3A_49 = vector.shape_cast %reduce_sum3A_48 : vector<8xf32> to vector<8x1xf32>
    %mul3A_50 = arith.constant 40 : i32
    %mul3A_51 = arith.muli %arg0, %mul3A_50 : i32
    %add3A_52 = arith.constant 24 : i32
    %add3A_53 = arith.addi %mul3A_51, %add3A_52 : i32
    %swap3A_54 = arith.index_cast %add3A_53 : i32 to index
    %swap3A_55 = arith.constant 0 : index
    %swap3A_56 = vector.load %arg3[%swap3A_54, %swap3A_55] : memref<2000x1xf32, #tpu.memory_space<vmem>>, vector<8x1xf32>
    tpu.vector_store %arg3[%swap3A_54, %swap3A_55], %broadcast_in_dim3A_49 {strides = array<i32>} : memref<2000x1xf32, #tpu.memory_space<vmem>>, vector<8x1xf32>,
    %get3A_57 = arith.constant 32 : index
    %get3A_58 = arith.constant 0 : index
    %get3A_59 = vector.load %arg2[%get3A_57, %get3A_58] : memref<40x7350xf32, #tpu.memory_space<vmem>>, vector<8x7350xf32>
    %mul3A_60 = vector.broadcast %get3A_1 : vector<1x7350xf32> to vector<8x7350xf32>
    %mul3A_61 = arith.mulf %get3A_59, %mul3A_60 : vector<8x7350xf32>
    %reduce_sum3A_62 = arith.constant dense<0.000000e+00> : vector<8xf32>
    %reduce_sum3A_63 = vector.multi_reduction <add>, %mul3A_61, %reduce_sum3A_62 [1] : vector<8x7350xf32> to vector<8xf32>
    %broadcast_in_dim3A_64 = vector.shape_cast %reduce_sum3A_63 : vector<8xf32> to vector<8x1xf32>
    %mul3A_65 = arith.constant 40 : i32
    %mul3A_66 = arith.muli %arg0, %mul3A_65 : i32
    %add3A_67 = arith.constant 32 : i32
    %add3A_68 = arith.addi %mul3A_66, %add3A_67 : i32
    %swap3A_69 = arith.index_cast %add3A_68 : i32 to index
    %swap3A_70 = arith.constant 0 : index
    %swap3A_71 = vector.load %arg3[%swap3A_69, %swap3A_70] : memref<2000x1xf32, #tpu.memory_space<vmem>>, vector<8x1xf32>
    tpu.vector_store %arg3[%swap3A_69, %swap3A_70], %broadcast_in_dim3A_64 {strides = array<i32>} : memref<2000x1xf32, #tpu.memory_space<vmem>>, vector<8x1xf32>,
    return
  }
  func.func @transform_0(%arg0: i32) -> (i32, i32) {
    %c0_i32 = arith.constant 0 : i32
    %c0_i32_0 = arith.constant 0 : i32
    %c0_i32_1 = arith.constant 0 : i32
    return %c0_i32, %c0_i32_0 : i32, i32
  }
  func.func @transform_1(%arg0: i32) -> (i32, i32) {
    %c0_i32 = arith.constant 0 : i32
    %c0_i32_0 = arith.constant 0 : i32
    return %arg0, %c0_i32 : i32, i32
  }
  func.func @transform_2(%arg0: i32) -> (i32, i32) {
    %c0_i32 = arith.constant 0 : i32
    %c0_i32_0 = arith.constant 0 : i32
    %c0_i32_1 = arith.constant 0 : i32
    return %c0_i32, %c0_i32_0 : i32, i32
  }
}

</mosaic_0001>

<sc_bundles>
// kernel: kernel.5.cloned.1.call-start
scs
__scs_entry_jumppad:
0x0: {  	(pc) =	sbr.rel $0x88, $3  }
0x1: {  	(tag) =	ssettag $0x0;
	lr =	simm.s32 $0x1  }
0x2: {  	[smem:$0x3F9A] =	sst lr;
	_ =	strace $0xD0000000  }
0x3: {  	_ = 	snop  }
0x4: {  	_ = 	snop  }
0x5: {  	_ = 	snop  }
0x6: {  	_ = 	snop  }
0x7: {  	_ = 	snop  }
__scs_overlays_trampoline_lowered:
0x8: {  	[smem:$0x3FA9] =	sst s0  }
0x9: {  	[smem:$0x3FAA] =	sst s1  }
0xa: {  	[smem:$0x3FAB] =	sst s2  }
0xb: {  	[smem:$0x3FAC] =	sst s3  }
0xc: {  	[smem:$0x3FAD] =	sst s4  }
0xd: {  	[smem:$0x3FAE] =	sst s5  }
0xe: {  	[smem:$0x3FAF] =	sst s6  }
0xf: {  	[smem:$0x3FB0] =	sst s7  }
0x10: {  	[smem:$0x3FB1] =	sst s8  }
0x11: {  	[smem:$0x3FB2] =	sst s9;
	s0 =	simm.s32 @!p0 $0x0  }
0x12: {  	s1 =	sld [smem:$0x3F98];
	s0 =	simm.s32 @p0 $0x1  }
0x13: {  	[smem:$0x3FB3] =	sst s0;
	s0 =	simm.s32 @!p1 $0x0  }
0x14: {  	s2 =	sld [smem:$0x3F97];
	s0 =	simm.s32 @p1 $0x1  }
0x15: {  	[smem:$0x3FB4] =	sst s0;
	s0 =	simm.s32 @!p2 $0x0  }
0x16: {  	s3 =	sld [smem:$0x3FDB];
	s0 =	simm.s32 @p2 $0x1  }
0x17: {  	s4 =	simm.s32 $0x1BF5;
	[smem:$0x3FB6] =	sst s0  }
0x18: {  	s0 =	sld [smem:$0x3F99];
	_ =	swait.ge [sflag:s4], $0x0  }
0x19: {  	s7 =	sld [smem:$0x3F9A]  }
0x1a: {  	s8 =	sadd.s32 $0xFFFFE003, lr  }
0x1b: {  	s9 =	sadd.s32 $0xFFFFFEF7, lr;
	s5 =	simm.s32 $0xFFFFFFFF;
	p2 =	slt.u32 s8, $0xFFFFF086  }
0x1c: {  	p1 =	slt.u32 s9, $0xF7A;
	s5 =	simm.s32 @!p2 $0x0  }
0x1d: {  	s5 =	simm.s32 @p1 $0x1;
	p0 =	seq.s32 s7, s2  }
0x1e: {  	s7 =	smul.u32 @!p0 $0xF7A, s2;
	p2 =	seq.s32 @!p0 s5, $0x0  }
0x1f: {  	s9 =	smul.u32 $0xF7A, s1;
	s8 =	simm.s32 @!p0 $0x1BF5;
	p2 =	por !p2, p0  }
0x20: {  	[sflag:s8] =	ssyncset.s32 @!p0 $0xFFFFF086;
	s6 =	sadd.s32 @!p0 s3, s7;
	s7 =	simm.s32 @!p0 $0x108  }
0x21: {  	s3 =	sadd.s32 s3, s9;
	s6 =	sadd.s32 @!p0 $0x88, s6;
	s7 =	simm.s32 @p2 $0x1082  }
0x22: {  	[simem:s7], [sflag:s8] =	dma.local @!p0 [hbm:s6], $0xF7A  }
0x23: {  	s9 =	sor.u32 $0xD0000000, s2;
	s6 =	simm.s32 $0x108;
	_ =	swait.ge @!p0 [sflag:s8], $0x0  }
0x24: {  	s3 =	sadd.s32 $0x88, s3;
	s6 =	simm.s32 @!p1 $0x1082;
	[sflag:s4] =	ssyncset.s32 $0xFFFFF086  }
0x25: {  	[simem:s6], [sflag:s4] =	dma.local [hbm:s3], $0xF7A  }
0x26: {  	[smem:$0x3F9A] =	sst s1;
	(tag) =	ssettag s2;
	_ =	strace s9  }
0x27: {  	s1 =	sld [smem:$0x3FAA]  }
0x28: {  	s2 =	sld [smem:$0x3FAB]  }
0x29: {  	s4 =	sld [smem:$0x3FAD]  }
0x2a: {  	p0 =	seq.s32 s5, $0x0;
	s5 =	sld [smem:$0x3FAE]  }
0x2b: {  	s6 =	sld [smem:$0x3FAF]  }
0x2c: {  	s7 =	sld [smem:$0x3FB0]  }
0x2d: {  	s3 =	simm.s32 $0x108;
	s8 =	sld [smem:$0x3FB1]  }
0x2e: {  	s3 =	simm.s32 @!p0 $0x1082;
	s9 =	sld [smem:$0x3FB2]  }
0x2f: {  	lr =	sadd.s32 s0, s3;
	s0 =	sld [smem:$0x3FA9]  }
0x30: {  	s3 =	sld [smem:$0x3FAC]  }
0x31: {  	[smem:$0x3FB5] =	sst s10  }
0x32: {  	s10 =	sld [smem:$0x3FB3];
	_ =	sdelay $0x3  }
0x33: {  	p0 =	seq.s32 s10, $0x1;
	s10 =	sld [smem:$0x3FB5];
	_ =	sdelay $0x3  }
0x34: {  	[smem:$0x3FB5] =	sst s10  }
0x35: {  	s10 =	sld [smem:$0x3FB4];
	_ =	sdelay $0x3  }
0x36: {  	p1 =	seq.s32 s10, $0x1;
	s10 =	sld [smem:$0x3FB5];
	_ =	sdelay $0x3  }
0x37: {  	[smem:$0x3FB5] =	sst s10  }
0x38: {  	s10 =	sld [smem:$0x3FB6]  }
0x39: {  	_ = 	snop;
	(pc) =	sbr.ind lr, $3  }
0x3a: {  	_ = 	snop  }
0x3b: {  	_ = 	snop  }
0x3c: {  	p2 =	seq.s32 s10, $0x1;
	s10 =	sld [smem:$0x3FB5]  }
0x3d: {  	_ =	shalt  }
0x3e: {  	_ =	shalt  }
0x3f: {  	_ =	shalt  }
0x40: {  	_ =	shalt  }
0x41: {  	_ =	shalt  }
0x42: {  	_ =	shalt  }
0x43: {  	_ =	shalt  }
0x44: {  	_ =	shalt  }
0x45: {  	_ =	shalt  }
0x46: {  	_ =	shalt  }
0x47: {  	_ =	shalt  }
0x48: {  	_ =	shalt  }
0x49: {  	_ =	shalt  }
0x4a: {  	_ =	shalt  }
0x4b: {  	_ =	shalt  }
0x4c: {  	_ =	shalt  }
0x4d: {  	_ =	shalt  }
0x4e: {  	_ =	shalt  }
0x4f: {  	_ =	shalt  }
0x50: {  	_ =	shalt  }
0x51: {  	_ =	shalt  }
0x52: {  	_ =	shalt  }
0x53: {  	_ =	shalt  }
0x54: {  	_ =	shalt  }
0x55: {  	_ =	shalt  }
0x56: {  	_ =	shalt  }
0x57: {  	_ =	shalt  }
0x58: {  	_ =	shalt  }
0x59: {  	_ =	shalt  }
0x5a: {  	_ =	shalt  }
0x5b: {  	_ =	shalt  }
0x5c: {  	_ =	shalt  }
0x5d: {  	_ =	shalt  }
0x5e: {  	_ =	shalt  }
0x5f: {  	_ =	shalt  }
0x60: {  	_ =	shalt  }
0x61: {  	_ =	shalt  }
0x62: {  	_ =	shalt  }
0x63: {  	_ =	shalt  }
0x64: {  	_ =	shalt  }
0x65: {  	_ =	shalt  }
0x66: {  	_ =	shalt  }
0x67: {  	_ =	shalt  }
0x68: {  	_ =	shalt  }
0x69: {  	_ =	shalt  }
0x6a: {  	_ =	shalt  }
0x6b: {  	_ =	shalt  }
0x6c: {  	_ =	shalt  }
0x6d: {  	_ =	shalt  }
0x6e: {  	_ =	shalt  }
0x6f: {  	_ =	shalt  }
0x70: {  	_ =	shalt  }
0x71: {  	_ =	shalt  }
0x72: {  	_ =	shalt  }
0x73: {  	_ =	shalt  }
0x74: {  	_ =	shalt  }
0x75: {  	_ =	shalt  }
0x76: {  	_ =	shalt  }
0x77: {  	_ =	shalt  }
0x78: {  	_ =	shalt  }
0x79: {  	_ =	shalt  }
0x7a: {  	_ =	shalt  }
0x7b: {  	_ =	shalt  }
0x7c: {  	_ =	shalt  }
0x7d: {  	_ =	shalt  }
0x7e: {  	_ =	shalt  }
0x7f: {  	_ =	shalt  }
0x80: {  	_ =	shalt  }
0x81: {  	_ =	shalt  }
0x82: {  	_ =	shalt  }
0x83: {  	_ =	shalt  }
0x84: {  	_ =	shalt  }
0x85: {  	_ =	shalt  }
0x86: {  	_ =	shalt  }
0x87: {  	_ =	shalt  }
.Lfunc_end0:
.L_simem_size_0:
called_computation_lowered:
.L_overlay_start_0:
0x88: {  	s2 =	sld [smem:$0x3FD9]  }
0x89: {  	s3 =	sld [smem:$0x3FFE];
	_ =	sdelay $0x1  }
0x8a: {  	s1 =	srdreg.scid  }
0x8b: {  	s0 =	sand.u32 $0x1, s1  }
0x8c: {  	s14 =	sshll.u32 s0, $0xA;
	s2 =	sadd.s32 s3, s2  }
0x8d: {  	s2 =	sadd.s32 s2, s14  }
0x8e: {  	[smem:$0x3FC1] =	sst s2  }
0x8f: {  	_ = 	snop  }
0x90: {  	s2 =	sld [smem:$0x3FD0];
	_ =	sdelay $0x2  }
0x91: {  	s15 =	simm.s32 $0xA;
	s4 =	simm.s32 $0x10  }
0x92: {  	[smem:s4], [sflag:s15] =	dma.local [hbm:s2], $0x1  }
0x93: {  	_ =	swait.eq [sflag:s15], $0x1  }
0x94: {  	[sflag:s15] =	ssyncset.done $0x0  }
0x95: {  	s16 =	sld [smem:$0x12];
	[sflag:s15] =	ssyncadd.s32 $0xFFFFFFFF  }
0x96: {  	s17 =	sld [smem:$0x13];
	(tm) =	ssettm $0x1  }
0x97: {  	s18 =	sld [smem:$0x3FFB];
	_ =	sdelay $0x3  }
0x98: {  	_ =	strace s18  }
0x99: {  	s4 =	sld [smem:$0x3FFC];
	_ =	sdelay $0x3  }
0x9a: {  	_ =	strace s4  }
0x9b: {  	s4 =	sld [smem:$0x3FFD];
	_ =	sdelay $0x3  }
0x9c: {  	_ =	strace s4  }
0x9d: {  	_ =	strace $0x8FFFFFFF  }
0x9e: {  	s19 =	sld [smem:$0x3FDB];
	_ =	sdelay $0x1  }
0x9f: {  	s5 =	simm.s32 $_scs_section_size  }
0xa0: {  	s6 =	simm.s32 $_size__tile_overlayer_lowered;
	s7 =	simm.s32 $_tile_overlayer_lowered  }
0xa1: {  	s22 =	simm.s32 $0x1BFF;
	s21 =	sshll.u32 s7, $0x1;
	s4 =	sadd.s32 s5, s19  }
0xa2: {  	s8 =	simm.s32 $0x0;
	s20 =	sshll.u32 s6, $0x1;
	s6 =	sadd.s32 s21, s4  }
0xa3: {  	[timem:s8], [sflag:s22] =	dma.local [hbm:s6], s20  }
0xa4: {  	_ =	swait.ge [sflag:s22], s20  }
0xa5: {  	s5 =	ssub.s32 $0x0, s20;
	[sflag:s22] =	ssyncset.done $0x0  }
0xa6: {  	[sflag:s22] =	ssyncadd.s32 s5;
	_ =	sdelay $0x1  }
0xa7: {  	s23 =	simm.s32 $0x1B8B  }
0xa8: {  	_ =	swait.ge [sflag:s23], $0x1  }
0xa9: {  	[sflag:s23] =	ssyncset.done $0x0  }
0xaa: {  	s25 =	simm.s32 $0x1B8E;
	s24 =	sld [smem:$0x3FFE];
	[sflag:s23] =	ssyncadd.s32 $0xFFFFFFFF  }
0xab: {  	s26 =	simm.s32 $execute0_lowered;
	[smem:$0x3FD2] =	sst s25  }
0xac: {  	s6 =	sshll.u32 s26, $0x1;
	_ =	strace $0x80000046;
	[dreg:$0x1] =	wrdreg $0xFFFFFFFF  }
0xad: {  	s28 =	simm.s32 $_size_execute0_lowered;
	s4 =	sadd.s32 s4, s6;
	[dreg:$0x0] =	wrdreg $0x0  }
0xae: {  	s6 =	sshll.u32 s28, $0x1;
	[dreg:$0x2] =	wrdreg s4  }
0xaf: {  	[dreg:$0x3] =	wrdreg s6  }
0xb0: {  	[dreg:$0x4] =	wrdreg $0xC0  }
0xb1: {  	_ =	task [dreg:s8], $0x5FFFF  }
0xb2: {  	[dreg:$0x1] =	wrdreg $0xFFFFFFFF  }
0xb3: {  	[dreg:$0x0] =	wrdreg $0x60  }
0xb4: {  	[dreg:$0x2] =	wrdreg s17  }
0xb5: {  	[dreg:$0x3] =	wrdreg s16  }
0xb6: {  	[dreg:$0x4] =	wrdreg s24  }
0xb7: {  	[dreg:$0x5] =	wrdreg $0x9  }
0xb8: {  	_ =	task.clear_ibuf [dreg:s8], $0x6FFFF;
	_ =	strace $0x90000046  }
0xb9: {  	s29 =	simm.s32 $0x9;
	_ =	strace $0x80000048  }
0xba: {  	_ =	swait.ge [sflag:s29], $0x1  }
0xbb: {  	[sflag:s29] =	ssyncadd.s32 $0xFFFFFFFF  }
0xbc: {  	_ =	strace $0x90000048  }
0xbd: {  	_ =	sfence  }
0xbe: {  	s30 =	sld [smem:$0x0];
	_ =	sdelay $0x2  }
0xbf: {  	s31 =	sshll.u32 s1, $0xD;
	s1 =	sshrl.u32 s1, $0x2  }
0xc0: {  	s3 =	sand.u32 $0x4000, s31;
	s1 =	sadd.s32 s1, s30  }
0xc1: {  	s0 =	sor.u32 s3, s0;
	s1 =	sshll.u32 s1, $0x11  }
0xc2: {  	s0 =	sor.u32 s1, s0  }
0xc3: {  	s0 =	sadd.s32 $0x8F2B, s0  }
0xc4: {  	[sflag:s0] =	ssyncadd.remote.s32 $0x1  }
0xc5: {  	_ =	sfence.sel $0xFFFF  }
0xc6: {  	[dreg:$0x0] =	wrdreg $0xFFFFFFFF;
	(pc) =	sbr.abs _section_cstart, $3  }
0xc7: {  	[dreg:$0x1] =	wrdreg $0xFFFFFFFF  }
0xc8: {  	_ =	task.clear_ibuf [dreg:s8], $0x2FFFF;
	_ =	strace $0x9FFFFFFF  }
0xc9: {  	(tm) =	ssettm $0x7FFFFFFF  }
tec
execute0_lowered:
.L_overlay_start_1:
0x0: {  	(tag) =	ssettag $0x1  }
0x1: {  	s3 =	rddreg [dreg:$0x0]  }
0x2: {  	s1 =	srdreg.scid;
	s0 =	stileid.u32  }
0x3: {  	s5 =	rddreg [dreg:$0x1];
	s11 =	sand.u32 $0x1, s1;
	s31 =	sshll.u32 s0, $0x1  }
0x4: {  	s7 =	rddreg [dreg:$0x2];
	s4 =	sor.u32 s11, s31  }
0x5: {  	s2 =	simm.s32 $0x0;
	s1 =	rddreg [dreg:$0x3];
	s8 =	smul.u32 $0xA, s4  }
0x6: {  	[smem:$0x7FF] =	sst s2  }
0x7: {  	_ =	strace $0x80000047;
	s4 =	sadd.s32 s3, s8;
	s3 =	simm.s32 $0x1  }
0x8: {  	[tilespmem:s2], [sflag:$0x1] =	stream.linear.gather [hbm4b:s4+s2], $0x50, $0x38;
	[tilespmem:$0x500] =	vst v63  }
0x9: {  	_ =	swait.ge [sflag:s3], $0x50  }
0xa: {  	[sflag:s3] =	ssyncset.done $0x0  }
0xb: {  	s6 =	simm.s32 $0x80;
	s5 =	sadd.s32 s5, s8;
	[sflag:s3] =	ssyncadd.s32 $0xFFFFFFB0  }
0xc: {  	[tilespmem:s6], [sflag:$0x1] =	stream.linear.gather [hbm4b:s5+s2], $0x50, $0x38;
	[tilespmem:$0x500] =	vst v63  }
0xd: {  	_ =	swait.ge [sflag:s3], $0x50  }
0xe: {  	s7 =	sadd.s32 s7, s8;
	[sflag:s3] =	ssyncset.done $0x0  }
0xf: {  	s9 =	simm.s32 $0x100;
	s8 =	sadd.s32 $0x200, s7;
	[sflag:s3] =	ssyncadd.s32 $0xFFFFFFB0  }
0x10: {  	[tilespmem:s9], [sflag:$0x1] =	stream.linear.gather [hbm4b:s8+s2], $0x50, $0x38;
	[tilespmem:$0x500] =	vst v63  }
0x11: {  	_ =	swait.ge [sflag:s3], $0x50  }
0x12: {  	[sflag:s3] =	ssyncset.done $0x0  }
0x13: {  	s10 =	simm.s32 $0x180;
	[sflag:s3] =	ssyncadd.s32 $0xFFFFFFB0  }
0x14: {  	[tilespmem:s10], [sflag:$0x1] =	stream.linear.gather [hbm4b:s7+s2], $0x50, $0x38;
	[tilespmem:$0x500] =	vst v63  }
0x15: {  	_ =	swait.ge [sflag:s3], $0x50  }
0x16: {  	[sflag:s3] =	ssyncset.done $0x0  }
0x17: {  	[sflag:s3] =	ssyncadd.s32 $0xFFFFFFB0  }
0x18: {  	v1 =	vld [tilespmem:$0x80]  }
0x19: {  	v2 =	vld [tilespmem:$0x100]  }
0x1a: {  	v3 =	vld [tilespmem:$0x140]  }
0x1b: {  	v4 =	vld [tilespmem:$0xC0]  }
0x1c: {  	v5 =	vld [tilespmem:$0x0]  }
0x1d: {  	v0 =	vld [tilespmem:$0x40];
	_ =	sdelay $0x2  }
0x1e: {  	v6 =	vld [tilespmem:$0x90];
	v9 =	vmax.f32 v1, v2  }
0x1f: {  	v7 =	vld [tilespmem:$0x110];
	v10 =	vmax.f32 v4, v3;
	v9 =	vmax.f32 v5, v9  }
0x20: {  	v8 =	vld [tilespmem:$0x10];
	v10 =	vmax.f32 v0, v10;
	v5 =	vsub.f32 v5, v9  }
0x21: {  	v0 =	vsub.f32 v0, v10;
	v1 =	vsub.f32 v1, v9  }
0x22: {  	v11 =	vld [tilespmem:$0xA0];
	v2 =	vsub.f32 v2, v9;
	v4 =	vsub.f32 v4, v10  }
0x23: {  	v12 =	vld [tilespmem:$0x120];
	v3 =	vsub.f32 v3, v10;
	v5 =	vmul.f32 $1.442695020e+00, v5;
	v0 =	vmul.f32 $1.442695020e+00, v0  }
0x24: {  	v9 =	vmax.f32 v6, v7;
	v10 =	vld [tilespmem:$0x20];
	v4 =	vmul.f32 $1.442695020e+00, v4;
	v2 =	vmul.f32 $1.442695020e+00, v2  }
0x25: {  	v9 =	vmax.f32 v8, v9;
	v3 =	vmul.f32 $1.442695020e+00, v3;
	(erf) = vpow2.f32 v5  }
0x26: {  	v8 =	vsub.f32 v8, v9;
	v1 =	vmul.f32 $1.442695020e+00, v1;
	(erf) = vpow2.f32 v0;
	v0 =	vld [tilespmem:$0xB0]  }
0x27: {  	v5 =	vsub.f32 v6, v9;
	v6 =	vsub.f32 v7, v9;
	(erf) = vpow2.f32 v4;
	v4 =	vld [tilespmem:$0x130]  }
0x28: {  	v7 =	vmul.f32 $1.442695020e+00, v8;
	v8 =	vmax.f32 v11, v12;
	(erf) = vpow2.f32 v2;
	v2 =	vld [tilespmem:$0x30]  }
0x29: {  	v8 =	vmax.f32 v10, v8;
	v5 =	vmul.f32 $1.442695020e+00, v5;
	(erf) = vpow2.f32 v3  }
0x2a: {  	v6 =	vmul.f32 $1.442695020e+00, v6;
	(erf) = vpow2.f32 v7;
	v7 =	vsub.f32 v10, v8  }
0x2b: {  	v3 =	vsub.f32 v11, v8;
	(erf) = vpow2.f32 v5;
	v5 =	vsub.f32 v12, v8  }
0x2c: {  	(erf) = vpow2.f32 v1;
	v1 =	vmax.f32 v0, v4;
	v7 =	vmul.f32 $1.442695020e+00, v7  }
0x2d: {  	v3 =	vmul.f32 $1.442695020e+00, v3;
	v1 =	vmax.f32 v2, v1  }
0x2e: {  	(erf) = vpow2.f32 v6;
	v6 =	vpop (erf);
	v2 =	vsub.f32 v2, v1  }
0x2f: {  	(erf) = vpow2.f32 v3;
	v3 =	vmul.f32 $1.442695020e+00, v5;
	v0 =	vsub.f32 v0, v1;
	v5 =	vpop (erf)  }
0x30: {  	v1 =	vsub.f32 v4, v1;
	(erf) = vpow2.f32 v7;
	v7 =	vpop (erf);
	v2 =	vmul.f32 $1.442695020e+00, v2  }
0x31: {  	(erf) = vpow2.f32 v3;
	v0 =	vmul.f32 $1.442695020e+00, v0;
	v4 =	vpop (erf);
	v3 =	vadd.f32 v7, v5  }
0x32: {  	v8 =	vpop (erf)  }
0x33: {  	v3 =	vadd.f32 v3, v8  }
0x34: {  	v1 =	vmul.f32 $1.442695020e+00, v1;
	(erf) = vpow2.f32 v2;
	v2 =	vpop (erf)  }
0x35: {  	(erf) = vpow2.f32 v0;
	v0 =	vpop (erf)  }
0x36: {  	(erf) = vpow2.f32 v1;
	v1 =	vadd.f32 v0, v2;
	v9 =	vpop (erf)  }
0x37: {  	(erf) = vrcp.f32 v3;
	v3 =	vpop (erf)  }
0x38: {  	v11 =	vadd.f32 v9, v6;
	v1 =	vadd.f32 v1, v3;
	_ =	sdelay $0x1  }
0x39: {  	v10 =	vpop (erf);
	(erf) = vrcp.f32 v1  }
0x3a: {  	v61 =	vpop (erf)  }
0x3b: {  	v1 =	vadd.f32 v11, v4;
	v11 =	vpop (erf)  }
0x3c: {  	v13 =	vadd.f32 v10, v61;
	v14 =	vpop (erf)  }
0x3d: {  	(erf) = vrcp.f32 v1;
	v15 =	vpop (erf)  }
0x3e: {  	v13 =	vadd.f32 v13, v11;
	v62 =	vpop (erf)  }
0x3f: {  	v1 =	vadd.f32 v15, v14;
	v16 =	vpop (erf)  }
0x40: {  	v17 =	vld [tilespmem:$0x1C0];
	(erf) = vrcp.f32 v13;
	v5 =	vmul.f32 v16, v5  }
0x41: {  	v1 =	vadd.f32 v1, v62;
	v7 =	vmul.f32 v16, v7  }
0x42: {  	v8 =	vmul.f32 v16, v8;
	[tilespmem:$0x240] =	vst v5;
	v63 =	vpop (erf)  }
0x43: {  	[tilespmem:$0x2C0] =	vst v7;
	(erf) = vrcp.f32 v1;
	v1 =	vmul.f32 v63, v3  }
0x44: {  	v19 =	vld [tilespmem:$0x190];
	[tilespmem:$0x340] =	vst v8;
	v18 =	vmul.f32 v63, v2  }
0x45: {  	v16 =	vmul.f32 v63, v0;
	v0 =	vmul.f32 v5, v17;
	[tilespmem:$0x310] =	vst v1  }
0x46: {  	v2 =	vpop (erf);
	[tilespmem:$0x210] =	vst v18  }
0x47: {  	[tilespmem:$0x3C0] =	vst v0;
	v0 =	vmul.f32 v2, v6  }
0x48: {  	[tilespmem:$0x290] =	vst v16;
	v6 =	vmul.f32 v8, v17  }
0x49: {  	v8 =	vld [tilespmem:$0x1A0];
	v17 =	vmul.f32 v7, v17;
	v7 =	vmul.f32 v1, v19;
	v3 =	vpop (erf);
	[tilespmem:$0x200] =	vst v0  }
0x4a: {  	s11 =	ssub.s32 $0x2, s11;
	v5 =	vmul.f32 v3, v10;
	v10 =	vld [tilespmem:$0x180];
	[tilespmem:$0x4C0] =	vst v6  }
0x4b: {  	s12 =	sshrl.u32 s11, $0x1;
	v1 =	vmul.f32 v2, v9;
	v12 =	vmul.f32 v3, v61;
	[tilespmem:$0x490] =	vst v7  }
0x4c: {  	s17 =	ssub.s32 s11, s12;
	v11 =	vmul.f32 v3, v11;
	v3 =	vmul.f32 v2, v4;
	[tilespmem:$0x440] =	vst v17  }
0x4d: {  	s23 =	smax.u32 s17, $0x1;
	v20 =	vld [tilespmem:$0x1B0];
	v6 =	vmul.f32 v16, v19;
	v7 =	vmul.f32 v18, v19;
	[tilespmem:$0x2A0] =	vst v5  }
0x4e: {  	p0 =	sne.s32 s23, $0x1;
	[tilespmem:$0x220] =	vst v12;
	v4 =	vmul.f32 v5, v8;
	v21 =	vmul.f32 v11, v8  }
.Ltmp0:
0x4f: {  	s22 =	simm.s32 $0x200;
	[tilespmem:$0x320] =	vst v11;
	v5 =	vmul.f32 v12, v8;
	v9 =	vpop (erf);
	v2 =	vmul.f32 v0, v10;
	(pc) =	sbr.rel @!p0 .LBB2_2-.Ltmp0, $4  }
0x50: {  	s20 =	simm.s32 $0x280;
	s21 =	simm.s32 $0x300;
	s18 =	simm.s32 $0x380;
	[tilespmem:$0x300] =	vst v3;
	v14 =	vmul.f32 v9, v14;
	v0 =	vmul.f32 v1, v10  }
0x51: {  	s19 =	simm.s32 $0x400;
	s17 =	simm.s32 $0x480;
	s16 =	sadd.s32 $0xA00, s7;
	v13 =	vmul.f32 v9, v62;
	v9 =	vmul.f32 v9, v15;
	[tilespmem:$0x4A0] =	vst v21  }
0x52: {  	s15 =	sadd.s32 $0xC00, s7;
	s13 =	sadd.s32 $0xE00, s7;
	s14 =	sadd.s32 $0x400, s7;
	v3 =	vmul.f32 v3, v10;
	[tilespmem:$0x230] =	vst v14;
	v10 =	vmul.f32 v14, v20  }
0x53: {  	s12 =	sadd.s32 $0x600, s7;
	s11 =	sadd.s32 $0x800, s7;
	s23 =	sadd.s32 $0xFFFFFFFF, s23;
	[tilespmem:$0x330] =	vst v13;
	v8 =	vmul.f32 v9, v20;
	v11 =	vmul.f32 v13, v20  }
.LBB2_1:
0x54: {  	p0 =	sne.s32 s23, $0x1;
	s23 =	sadd.s32 $0xFFFFFFFF, s23;
	[tilespmem:$0x2B0] =	vst v9  }
0x55: {  	[tilespmem:$0x3B0] =	vst v10  }
0x56: {  	[tilespmem:$0x410] =	vst v6  }
0x57: {  	[tilespmem:$0x4B0] =	vst v11  }
0x58: {  	[tilespmem:$0x420] =	vst v4  }
0x59: {  	[tilespmem:$0x280] =	vst v1  }
0x5a: {  	[tilespmem:$0x390] =	vst v7  }
0x5b: {  	[tilespmem:$0x380] =	vst v2  }
0x5c: {  	[tilespmem:$0x3A0] =	vst v5  }
0x5d: {  	[tilespmem:$0x480] =	vst v3  }
0x5e: {  	[tilespmem:$0x430] =	vst v8  }
0x5f: {  	[tilespmem:$0x400] =	vst v0  }
0x60: {  	[hbm4b:s16+s2] =	stream.linear.scatter [tilespmem:s22], [sflag:$0x1], $0x50, $0x38;
	[tilespmem:$0x500] =	vst v63  }
0x61: {  	_ =	swait.ge [sflag:s3], $0x50  }
0x62: {  	[sflag:s3] =	ssyncset.done $0x0  }
0x63: {  	[sflag:s3] =	ssyncadd.s32 $0xFFFFFFB0  }
0x64: {  	[hbm4b:s15+s2] =	stream.linear.scatter [tilespmem:s20], [sflag:$0x1], $0x50, $0x38;
	[tilespmem:$0x500] =	vst v63  }
0x65: {  	_ =	swait.ge [sflag:s3], $0x50  }
0x66: {  	[sflag:s3] =	ssyncset.done $0x0  }
0x67: {  	[sflag:s3] =	ssyncadd.s32 $0xFFFFFFB0  }
0x68: {  	[hbm4b:s13+s2] =	stream.linear.scatter [tilespmem:s21], [sflag:$0x1], $0x50, $0x38;
	[tilespmem:$0x500] =	vst v63  }
0x69: {  	_ =	swait.ge [sflag:s3], $0x50  }
0x6a: {  	[sflag:s3] =	ssyncset.done $0x0  }
0x6b: {  	[sflag:s3] =	ssyncadd.s32 $0xFFFFFFB0  }
0x6c: {  	[hbm4b:s14+s2] =	stream.linear.scatter [tilespmem:s18], [sflag:$0x1], $0x50, $0x38;
	[tilespmem:$0x500] =	vst v63  }
0x6d: {  	_ =	swait.ge [sflag:s3], $0x50  }
0x6e: {  	[sflag:s3] =	ssyncset.done $0x0  }
0x6f: {  	[sflag:s3] =	ssyncadd.s32 $0xFFFFFFB0  }
0x70: {  	[hbm4b:s12+s2] =	stream.linear.scatter [tilespmem:s19], [sflag:$0x1], $0x50, $0x38;
	[tilespmem:$0x500] =	vst v63  }
0x71: {  	_ =	swait.ge [sflag:s3], $0x50  }
0x72: {  	[sflag:s3] =	ssyncset.done $0x0  }
0x73: {  	[sflag:s3] =	ssyncadd.s32 $0xFFFFFFB0  }
0x74: {  	[hbm4b:s11+s2] =	stream.linear.scatter [tilespmem:s17], [sflag:$0x1], $0x50, $0x38;
	[tilespmem:$0x500] =	vst v63  }
0x75: {  	_ =	swait.ge [sflag:s3], $0x50  }
0x76: {  	[sflag:s3] =	ssyncset.done $0x0  }
0x77: {  	[sflag:s3] =	ssyncadd.s32 $0xFFFFFFB0  }
0x78: {  	[tilespmem:s2], [sflag:$0x1] =	stream.linear.gather [hbm4b:s4+s2], $0x50, $0x38;
	[tilespmem:$0x500] =	vst v63  }
0x79: {  	_ =	swait.ge [sflag:s3], $0x50  }
0x7a: {  	[sflag:s3] =	ssyncset.done $0x0  }
0x7b: {  	[sflag:s3] =	ssyncadd.s32 $0xFFFFFFB0  }
0x7c: {  	[tilespmem:s6], [sflag:$0x1] =	stream.linear.gather [hbm4b:s5+s2], $0x50, $0x38;
	[tilespmem:$0x500] =	vst v63  }
0x7d: {  	_ =	swait.ge [sflag:s3], $0x50  }
0x7e: {  	[sflag:s3] =	ssyncset.done $0x0  }
0x7f: {  	[sflag:s3] =	ssyncadd.s32 $0xFFFFFFB0  }
0x80: {  	[tilespmem:s9], [sflag:$0x1] =	stream.linear.gather [hbm4b:s8+s2], $0x50, $0x38;
	[tilespmem:$0x500] =	vst v63  }
0x81: {  	_ =	swait.ge [sflag:s3], $0x50  }
0x82: {  	[sflag:s3] =	ssyncset.done $0x0  }
0x83: {  	[sflag:s3] =	ssyncadd.s32 $0xFFFFFFB0  }
0x84: {  	[tilespmem:s10], [sflag:$0x1] =	stream.linear.gather [hbm4b:s7+s2], $0x50, $0x38;
	[tilespmem:$0x500] =	vst v63  }
0x85: {  	_ =	swait.ge [sflag:s3], $0x50  }
0x86: {  	[sflag:s3] =	ssyncset.done $0x0  }
0x87: {  	[sflag:s3] =	ssyncadd.s32 $0xFFFFFFB0  }
0x88: {  	v0 =	vld [tilespmem:$0x10]  }
0x89: {  	v1 =	vld [tilespmem:$0x40]  }
0x8a: {  	v2 =	vld [tilespmem:$0x80]  }
0x8b: {  	v3 =	vld [tilespmem:$0x100]  }
0x8c: {  	v4 =	vld [tilespmem:$0x140]  }
0x8d: {  	v5 =	vld [tilespmem:$0xC0]  }
0x8e: {  	v6 =	vld [tilespmem:$0x0]  }
0x8f: {  	v7 =	vld [tilespmem:$0x90]  }
0x90: {  	v8 =	vld [tilespmem:$0x110]  }
0x91: {  	v9 =	vld [tilespmem:$0xA0]  }
0x92: {  	v10 =	vmax.f32 v2, v3;
	v11 =	vld [tilespmem:$0xB0];
	v12 =	vmax.f32 v5, v4  }
0x93: {  	v10 =	vmax.f32 v6, v10;
	v12 =	vmax.f32 v1, v12  }
0x94: {  	v6 =	vsub.f32 v6, v10;
	v1 =	vsub.f32 v1, v12  }
0x95: {  	v2 =	vsub.f32 v2, v10;
	v3 =	vsub.f32 v3, v10;
	v10 =	vmax.f32 v7, v8  }
0x96: {  	v5 =	vsub.f32 v5, v12;
	v4 =	vsub.f32 v4, v12;
	v6 =	vmul.f32 $1.442695020e+00, v6;
	v13 =	vld [tilespmem:$0x120]  }
0x97: {  	v2 =	vmul.f32 $1.442695020e+00, v2;
	v10 =	vmax.f32 v0, v10;
	v1 =	vmul.f32 $1.442695020e+00, v1;
	v12 =	vld [tilespmem:$0x20]  }
0x98: {  	v5 =	vmul.f32 $1.442695020e+00, v5;
	v0 =	vsub.f32 v0, v10;
	(erf) = vpow2.f32 v6  }
0x99: {  	v3 =	vmul.f32 $1.442695020e+00, v3;
	v6 =	vsub.f32 v7, v10;
	(erf) = vpow2.f32 v1  }
0x9a: {  	v4 =	vmul.f32 $1.442695020e+00, v4;
	v1 =	vsub.f32 v8, v10;
	v7 =	vld [tilespmem:$0x130];
	(erf) = vpow2.f32 v5  }
0x9b: {  	v0 =	vmul.f32 $1.442695020e+00, v0;
	v5 =	vmax.f32 v9, v13;
	v8 =	vld [tilespmem:$0x30];
	(erf) = vpow2.f32 v3  }
0x9c: {  	v3 =	vmul.f32 $1.442695020e+00, v6;
	v5 =	vmax.f32 v12, v5;
	(erf) = vpow2.f32 v4  }
0x9d: {  	v1 =	vmul.f32 $1.442695020e+00, v1;
	v4 =	vsub.f32 v9, v5;
	(erf) = vpow2.f32 v0  }
0x9e: {  	v0 =	vsub.f32 v12, v5;
	v6 =	vsub.f32 v13, v5;
	(erf) = vpow2.f32 v3  }
0x9f: {  	v3 =	vmul.f32 $1.442695020e+00, v4;
	v4 =	vmax.f32 v11, v7;
	(erf) = vpow2.f32 v2  }
0xa0: {  	v9 =	vmul.f32 $1.442695020e+00, v0;
	v2 =	vmax.f32 v8, v4;
	(erf) = vpow2.f32 v1  }
0xa1: {  	v1 =	vmul.f32 $1.442695020e+00, v6;
	v4 =	vsub.f32 v8, v2;
	v5 =	vpop (erf);
	(erf) = vpow2.f32 v3  }
0xa2: {  	v3 =	vsub.f32 v11, v2;
	v10 =	vsub.f32 v7, v2;
	(erf) = vpow2.f32 v9;
	v0 =	vpop (erf)  }
0xa3: {  	v4 =	vmul.f32 $1.442695020e+00, v4;
	v6 =	vpop (erf)  }
0xa4: {  	v11 =	vmul.f32 $1.442695020e+00, v3;
	v9 =	vadd.f32 v6, v0;
	v8 =	vpop (erf);
	(erf) = vpow2.f32 v1  }
0xa5: {  	v1 =	vmul.f32 $1.442695020e+00, v10;
	(erf) = vpow2.f32 v4;
	v2 =	vpop (erf)  }
0xa6: {  	v4 =	vadd.f32 v9, v2;
	v7 =	vpop (erf);
	(erf) = vpow2.f32 v11  }
0xa7: {  	v3 =	vpop (erf);
	(erf) = vpow2.f32 v1  }
0xa8: {  	v1 =	vadd.f32 v3, v7;
	v9 =	vpop (erf);
	(erf) = vrcp.f32 v4  }
0xa9: {  	v4 =	vadd.f32 v9, v5;
	v10 =	vpop (erf)  }
0xaa: {  	v1 =	vadd.f32 v1, v10;
	v11 =	vpop (erf)  }
0xab: {  	v14 =	vadd.f32 v4, v8;
	v12 =	vpop (erf)  }
0xac: {  	v15 =	vadd.f32 v11, v12;
	(erf) = vrcp.f32 v1  }
0xad: {  	(erf) = vrcp.f32 v14;
	v4 =	vpop (erf)  }
0xae: {  	v1 =	vadd.f32 v15, v4;
	v13 =	vpop (erf)  }
0xaf: {  	v14 =	vpop (erf)  }
0xb0: {  	v15 =	vadd.f32 v14, v13;
	(erf) = vrcp.f32 v1;
	v16 =	vpop (erf)  }
0xb1: {  	v1 =	vld [tilespmem:$0x1C0];
	v17 =	vpop (erf)  }
0xb2: {  	v15 =	vadd.f32 v15, v16;
	v0 =	vmul.f32 v17, v0;
	v6 =	vmul.f32 v17, v6;
	_ =	sdelay $0x1  }
0xb3: {  	v2 =	vmul.f32 v17, v2;
	[tilespmem:$0x240] =	vst v0;
	(erf) = vrcp.f32 v15  }
0xb4: {  	v15 =	vld [tilespmem:$0x190];
	[tilespmem:$0x2C0] =	vst v6;
	v17 =	vpop (erf)  }
0xb5: {  	v10 =	vmul.f32 v17, v10;
	[tilespmem:$0x340] =	vst v2;
	v0 =	vmul.f32 v0, v1;
	v18 =	vpop (erf)  }
0xb6: {  	v7 =	vmul.f32 v17, v7;
	v20 =	vmul.f32 v2, v1;
	v19 =	vld [tilespmem:$0x180]  }
0xb7: {  	v17 =	vmul.f32 v17, v3;
	v21 =	vmul.f32 v6, v1;
	[tilespmem:$0x310] =	vst v10  }
0xb8: {  	v5 =	vmul.f32 v18, v5;
	v8 =	vmul.f32 v18, v8;
	[tilespmem:$0x210] =	vst v7;
	v22 =	vld [tilespmem:$0x1A0];
	v3 =	vpop (erf)  }
0xb9: {  	[tilespmem:$0x290] =	vst v17;
	v23 =	vmul.f32 v10, v15;
	v6 =	vmul.f32 v3, v11  }
0xba: {  	v1 =	vmul.f32 v18, v9;
	v9 =	vmul.f32 v3, v12;
	[tilespmem:$0x3C0] =	vst v0  }
0xbb: {  	v10 =	vmul.f32 v3, v4;
	v2 =	vmul.f32 v5, v19;
	[tilespmem:$0x2A0] =	vst v6  }
0xbc: {  	v0 =	vmul.f32 v1, v19;
	v3 =	vmul.f32 v8, v19;
	[tilespmem:$0x220] =	vst v9;
	v11 =	vld [tilespmem:$0x1B0];
	v12 =	vpop (erf)  }
0xbd: {  	[tilespmem:$0x200] =	vst v5;
	v4 =	vmul.f32 v6, v22;
	v18 =	vmul.f32 v10, v22  }
0xbe: {  	v6 =	vmul.f32 v17, v15;
	v5 =	vmul.f32 v9, v22;
	[tilespmem:$0x320] =	vst v10  }
0xbf: {  	v7 =	vmul.f32 v7, v15;
	[tilespmem:$0x300] =	vst v8;
	v8 =	vmul.f32 v12, v13  }
0xc0: {  	v9 =	vmul.f32 v12, v14;
	v12 =	vmul.f32 v12, v16;
	[tilespmem:$0x4C0] =	vst v20  }
.Ltmp1:
0xc1: {  	[tilespmem:$0x230] =	vst v8;
	v10 =	vmul.f32 v8, v11;
	(pc) =	sbr.rel @p0 .LBB2_1-.Ltmp1, $4  }
0xc2: {  	v8 =	vmul.f32 v9, v11;
	v11 =	vmul.f32 v12, v11;
	[tilespmem:$0x490] =	vst v23  }
0xc3: {  	[tilespmem:$0x330] =	vst v12  }
0xc4: {  	[tilespmem:$0x440] =	vst v21  }
0xc5: {  	[tilespmem:$0x4A0] =	vst v18  }
.LBB2_2:
0xc6: {  	[tilespmem:$0x2B0] =	vst v9  }
0xc7: {  	[tilespmem:$0x3B0] =	vst v10  }
0xc8: {  	[tilespmem:$0x410] =	vst v6  }
0xc9: {  	[tilespmem:$0x420] =	vst v4  }
0xca: {  	[tilespmem:$0x280] =	vst v1  }
0xcb: {  	[tilespmem:$0x390] =	vst v7  }
0xcc: {  	[tilespmem:$0x380] =	vst v2  }
0xcd: {  	[tilespmem:$0x3A0] =	vst v5  }
0xce: {  	[tilespmem:$0x480] =	vst v3  }
0xcf: {  	[tilespmem:$0x400] =	vst v0  }
0xd0: {  	[tilespmem:$0x4B0] =	vst v11  }
0xd1: {  	[tilespmem:$0x430] =	vst v8  }
0xd2: {  	[hbm4b:s16+s2] =	stream.linear.scatter [tilespmem:s22], [sflag:$0x1], $0x50, $0x38;
	[tilespmem:$0x500] =	vst v63  }
0xd3: {  	_ =	swait.ge [sflag:s3], $0x50  }
0xd4: {  	[sflag:s3] =	ssyncset.done $0x0  }
0xd5: {  	[sflag:s3] =	ssyncadd.s32 $0xFFFFFFB0  }
0xd6: {  	[hbm4b:s15+s2] =	stream.linear.scatter [tilespmem:s20], [sflag:$0x1], $0x50, $0x38;
	[tilespmem:$0x500] =	vst v63  }
0xd7: {  	_ =	swait.ge [sflag:s3], $0x50  }
0xd8: {  	[sflag:s3] =	ssyncset.done $0x0  }
0xd9: {  	[sflag:s3] =	ssyncadd.s32 $0xFFFFFFB0  }
0xda: {  	[hbm4b:s13+s2] =	stream.linear.scatter [tilespmem:s21], [sflag:$0x1], $0x50, $0x38;
	[tilespmem:$0x500] =	vst v63  }
0xdb: {  	_ =	swait.ge [sflag:s3], $0x50  }
0xdc: {  	[sflag:s3] =	ssyncset.done $0x0  }
0xdd: {  	[sflag:s3] =	ssyncadd.s32 $0xFFFFFFB0  }
0xde: {  	[hbm4b:s14+s2] =	stream.linear.scatter [tilespmem:s18], [sflag:$0x1], $0x50, $0x38;
	[tilespmem:$0x500] =	vst v63  }
0xdf: {  	_ =	swait.ge [sflag:s3], $0x50  }
0xe0: {  	[sflag:s3] =	ssyncset.done $0x0  }
0xe1: {  	[sflag:s3] =	ssyncadd.s32 $0xFFFFFFB0  }
0xe2: {  	[hbm4b:s12+s2] =	stream.linear.scatter [tilespmem:s19], [sflag:$0x1], $0x50, $0x38;
	[tilespmem:$0x500] =	vst v63  }
0xe3: {  	_ =	swait.ge [sflag:s3], $0x50  }
0xe4: {  	[sflag:s3] =	ssyncset.done $0x0  }
0xe5: {  	[sflag:s3] =	ssyncadd.s32 $0xFFFFFFB0  }
0xe6: {  	[hbm4b:s11+s2] =	stream.linear.scatter [tilespmem:s17], [sflag:$0x1], $0x50, $0x38;
	[tilespmem:$0x500] =	vst v63  }
0xe7: {  	_ =	swait.ge [sflag:s3], $0x50  }
0xe8: {  	[sflag:s3] =	ssyncset.done $0x0  }
0xe9: {  	[sflag:s3] =	ssyncadd.s32 $0xFFFFFFB0  }
0xea: {  	_ =	sfence.sel $0x180000  }
0xeb: {  	[bflag:$0x0] =	sbarrier.arrive $0xFFFF  }
0xec: {  	p0 =	sne.s32 s0, $0x0;
	_ =	strace $0x90000047  }
0xed: {  	s0 =	sadd.s32 @!p0 $0x100000, s1;
	[bflag:$0x2] =	sbarrier.arrive $0xFFFF  }
0xee: {  	[sflag:s0] =	ssyncadd.tile.s32 @!p0 $0x1;
	_ =	shalt  }
.Lfunc_end2:
_tile_overlayer_lowered:
.L_overlay_start_2:
0xef: {  	(tag) =	ssettag $0x2  }
0xf0: {  	s0 =	rddreg [dreg:$0x0];
	s2 =	stileid.u32  }
0xf1: {  	s1 =	rddreg [dreg:$0x1];
	p0 =	sne.s32 s2, $0x0  }
0xf2: {  	s3 =	rddreg [dreg:$0x2];
	[bflag:$0x3] =	sbarrier.arrive $0xFFFF;
	s2 =	simm.s32 @!p0 $0x1C01  }
0xf3: {  	[timem:s3], [sflag:s2] =	dma.local @!p0 [hbm:s0], s1  }
0xf4: {  	s0 =	simm.s32 @!p0 $0x1  }
0xf5: {  	_ =	swait.ge @!p0 [sflag:s0], s1  }
0xf6: {  	s1 =	ssub.s32 @!p0 $0x0, s1;
	[sflag:s0] =	ssyncset.done @!p0 $0x0  }
0xf7: {  	[sflag:s0] =	ssyncadd.s32 @!p0 s1  }
0xf8: {  	[bflag:$0x3] =	sbarrier.arrive $0xFFFF  }
0xf9: {  	_ =	shalt  }

</sc_bundles>
